<compile_context>
chip_gen: v7x
topology: tpu7x:2x2x1
jax: 0.10.2.dev20260603
libtpu: 0.0.44.dev20260713+nightly
codegen_flags: <defaults>
</compile_context>

<pallas_src>
import functools

import jax
import jax.numpy as jnp
from jax import lax
from jax.experimental import pallas as pl
from jax.experimental.pallas import tpu as pltpu
from jax.experimental.pallas import tpu_sc as plsc

B, C, N, K = 8, 128, 2000, 9
TI = 400
NT = N // TI
T3 = 400
T4 = 800
BN = B * N
SECT = 16384
MPAD = 9 * SECT
NWORK = 32
PERW = MPAD // NWORK
CH = 128
NCH = PERW // CH


def _k1_body(g_ref, x_ref, xt_ref, idx_ref):
    b = pl.program_id(0)
    g = g_ref[0, 0]
    xf = x_ref[0]
    xr = xt_ref[0]
    xx_j = jnp.sum(xf * xf, axis=0, keepdims=True)
    xx_i = jnp.sum(xr * xr, axis=1, keepdims=True)
    bal = -2.0 * jnp.dot(xr, xf, preferred_element_type=jnp.float32)
    val = ((1.0 - g * xx_j) + bal) - xx_i
    cols = lax.broadcasted_iota(jnp.int32, (TI, N), 1)
    lanes = lax.broadcasted_iota(jnp.int32, (TI, 128), 1)
    idxbuf = jnp.zeros((TI, 128), jnp.int32)
    base = b * N
    for kk in range(K):
        m = jnp.min(val, axis=1, keepdims=True)
        j_sel = jnp.min(jnp.where(val == m, cols, N), axis=1, keepdims=True)
        idxbuf = jnp.where(lanes == kk, j_sel + base, idxbuf)
        val = jnp.where(cols == j_sel, jnp.inf, val)
    idx_ref[0] = idxbuf


def _k1(x, xt, g2):
    return pl.pallas_call(
        _k1_body,
        grid=(B, NT),
        in_specs=[
            pl.BlockSpec((1, 1), lambda b, j: (0, 0)),
            pl.BlockSpec((1, C, N), lambda b, j: (b, 0, 0)),
            pl.BlockSpec((1, TI, C), lambda b, j: (b, j, 0)),
        ],
        out_specs=pl.BlockSpec((1, TI, 128), lambda b, j: (b, j, 0)),
        out_shape=jax.ShapeDtypeStruct((B, N, 128), jnp.int32),
    )(g2, x, xt)


def _k2_body(table_hbm, idx_hbm, out_hbm, idx_v,
             r0, r1, r2, r3, gs0, gs1, gs2, gs3, os0, os1, os2, os3):
    wid = lax.axis_index("s") * 2 + lax.axis_index("c")
    wbase = wid * PERW
    pltpu.sync_copy(idx_hbm.at[pl.ds(wbase, PERW)], idx_v)

    def gat(c, buf, sem):
        pltpu.make_async_copy(
            table_hbm.at[idx_v.at[pl.ds(c * CH, CH)]], buf, sem).start()

    def gwait(buf, sem):
        pltpu.make_async_copy(table_hbm.at[pl.ds(0, CH)], buf, sem).wait()

    def sca(c, buf, sem):
        pltpu.make_async_copy(
            buf, out_hbm.at[pl.ds(wbase + c * CH, CH)], sem).start()

    def swait(buf, sem):
        pltpu.make_async_copy(
            buf, out_hbm.at[pl.ds(wbase, CH)], sem).wait()

    def step(u, _):
        c0 = 4 * u

        @pl.when(u > 0)
        def _():
            swait(r0, os0)
            swait(r1, os1)
        gat(c0, r0, gs0)
        gat(c0 + 1, r1, gs1)

        @pl.when(u > 0)
        def _():
            swait(r2, os2)
            swait(r3, os3)
        gwait(r0, gs0)
        gwait(r1, gs1)
        sca(c0, r0, os0)
        sca(c0 + 1, r1, os1)
        gat(c0 + 2, r2, gs2)
        gat(c0 + 3, r3, gs3)
        gwait(r2, gs2)
        gwait(r3, gs3)
        sca(c0 + 2, r2, os2)
        sca(c0 + 3, r3, os3)
        return _

    lax.fori_loop(0, NCH // 4, step, None)
    swait(r0, os0)
    swait(r1, os1)
    swait(r2, os2)
    swait(r3, os3)


def _k2(table, idx_flat):
    mesh = plsc.VectorSubcoreMesh(core_axis_name="c", subcore_axis_name="s")
    f = functools.partial(
        pl.kernel,
        mesh=mesh,
        out_type=jax.ShapeDtypeStruct((MPAD, C), jnp.float32),
        scratch_types=[
            pltpu.VMEM((PERW,), jnp.int32),
            pltpu.VMEM((CH, C), jnp.float32),
            pltpu.VMEM((CH, C), jnp.float32),
            pltpu.VMEM((CH, C), jnp.float32),
            pltpu.VMEM((CH, C), jnp.float32),
            pltpu.SemaphoreType.DMA,
            pltpu.SemaphoreType.DMA,
            pltpu.SemaphoreType.DMA,
            pltpu.SemaphoreType.DMA,
            pltpu.SemaphoreType.DMA,
            pltpu.SemaphoreType.DMA,
            pltpu.SemaphoreType.DMA,
            pltpu.SemaphoreType.DMA,
        ],
    )(_k2_body)
    return f(table, idx_flat)


def _k3_body(xt_ref, feat_ref, at_ref, wd_ref, b1_ref, y1_ref, st_ref):
    @pl.when(pl.program_id(0) == 0)
    def _():
        st_ref[...] = jnp.zeros_like(st_ref)

    xr = xt_ref[...]
    acc0 = jnp.dot(xr, at_ref[...], preferred_element_type=jnp.float32)
    ys = []
    s_acc = jnp.zeros((1, C), jnp.float32)
    q_acc = jnp.zeros((1, C), jnp.float32)
    for t in range(3):
        acc = acc0
        for dk in range(3):
            kk = 3 * t + dk
            acc = acc - jnp.dot(feat_ref[kk], wd_ref[:, dk * C:(dk + 1) * C],
                                preferred_element_type=jnp.float32)
        y = acc + b1_ref[0, t * C:(t + 1) * C]
        ys.append(y)
        s_acc += jnp.sum(y, axis=0, keepdims=True)
        q_acc += jnp.sum(y * y, axis=0, keepdims=True)
    y1_ref[...] = jnp.concatenate(ys, axis=1)
    st_ref[0:1, :] += s_acc
    st_ref[1:2, :] += q_acc


def _k3(xt_flat, feat3, at_all, wdt, b1t):
    return pl.pallas_call(
        _k3_body,
        grid=(BN // T3,),
        in_specs=[
            pl.BlockSpec((T3, C), lambda i: (i, 0)),
            pl.BlockSpec((9, T3, C), lambda i: (0, i, 0)),
            pl.BlockSpec((C, C), lambda i: (0, 0)),
            pl.BlockSpec((C, 3 * C), lambda i: (0, 0)),
            pl.BlockSpec((1, 3 * C), lambda i: (0, 0)),
        ],
        out_specs=[
            pl.BlockSpec((T3, 3 * C), lambda i: (i, 0)),
            pl.BlockSpec((2, C), lambda i: (0, 0)),
        ],
        out_shape=[
            jax.ShapeDtypeStruct((BN, 3 * C), jnp.float32),
            jax.ShapeDtypeStruct((2, C), jnp.float32),
        ],
        compiler_params=pltpu.CompilerParams(
            dimension_semantics=("arbitrary",)),
    )(xt_flat, feat3, at_all, wdt, b1t)


def _k4_body(y1_ref, a_ref, c_ref, w2_ref, b2_ref, y2_ref, st_ref):
    @pl.when(pl.program_id(0) == 0)
    def _():
        st_ref[...] = jnp.zeros_like(st_ref)

    h = jnp.maximum(y1_ref[...] * a_ref[0] + c_ref[0], 0.0)
    y = jnp.dot(h, w2_ref[...], preferred_element_type=jnp.float32) + b2_ref[0]
    y2_ref[...] = y
    st_ref[0:1, :] += jnp.sum(y, axis=0, keepdims=True)
    st_ref[1:2, :] += jnp.sum(y * y, axis=0, keepdims=True)


def _k4(y1, a1, c1, w2r, b2):
    return pl.pallas_call(
        _k4_body,
        grid=(BN // T4,),
        in_specs=[
            pl.BlockSpec((T4, 3 * C), lambda i: (i, 0)),
            pl.BlockSpec((1, 3 * C), lambda i: (0, 0)),
            pl.BlockSpec((1, 3 * C), lambda i: (0, 0)),
            pl.BlockSpec((3 * C, C), lambda i: (0, 0)),
            pl.BlockSpec((1, C), lambda i: (0, 0)),
        ],
        out_specs=[
            pl.BlockSpec((T4, C), lambda i: (i, 0)),
            pl.BlockSpec((2, C), lambda i: (0, 0)),
        ],
        out_shape=[
            jax.ShapeDtypeStruct((BN, C), jnp.float32),
            jax.ShapeDtypeStruct((2, C), jnp.float32),
        ],
        compiler_params=pltpu.CompilerParams(
            dimension_semantics=("arbitrary",)),
    )(y1, a1, c1, w2r, b2)


def _k5_body(y2_ref, a_ref, c_ref, out_ref):
    z = jnp.maximum(y2_ref[0] * a_ref[0] + c_ref[0], 0.0)
    out_ref[0] = jnp.transpose(z, (1, 0))


def _k5(y2r, sc2, sh2):
    return pl.pallas_call(
        _k5_body,
        grid=(B,),
        in_specs=[
            pl.BlockSpec((1, N, C), lambda b: (b, 0, 0)),
            pl.BlockSpec((1, C), lambda b: (0, 0)),
            pl.BlockSpec((1, C), lambda b: (0, 0)),
        ],
        out_specs=pl.BlockSpec((1, C, N), lambda b: (b, 0, 0)),
        out_shape=jax.ShapeDtypeStruct((B, C, N), jnp.float32),
    )(y2r, sc2, sh2)


@jax.jit
def kernel(features, gamma1, w1, b1, bn1_g, bn1_b, w2, b2, bn2_g, bn2_b):
    x = features.reshape(B, C, N)
    xt = jnp.transpose(x, (0, 2, 1))
    xt_flat = xt.reshape(BN, C)

    g2 = (1.0 / (gamma1 * gamma1)).reshape(1, 1)
    idx_full = _k1(x, xt, g2)
    idx9 = idx_full[:, :, :K]
    idx_sections = jnp.transpose(idx9, (2, 0, 1)).reshape(K, BN)
    idx_flat = jnp.pad(idx_sections, ((0, 0), (0, SECT - BN))).reshape(-1)

    gathered = _k2(xt_flat, idx_flat)
    feat3 = gathered.reshape(K, SECT, C)

    w1m = w1[:, :, 0, :]
    wx = w1m[:, :C, :]
    wd = w1m[:, C:, :]
    at_all = jnp.transpose((wx + wd).sum(axis=-1))
    wdt = jnp.concatenate(
        [jnp.transpose(wd[:, :, dk]) for dk in range(3)], axis=1)
    b1t = jnp.tile(b1, 3).reshape(1, 3 * C)

    y1, st1 = _k3(xt_flat, feat3, at_all, wdt, b1t)
    cnt1 = jnp.float32(BN * 3)
    mean1 = st1[0] / cnt1
    var1 = st1[1] / cnt1 - mean1 * mean1
    s1 = bn1_g / jnp.sqrt(var1 + 1e-5)
    h1 = bn1_b - mean1 * s1
    a1 = jnp.tile(s1, 3).reshape(1, 3 * C)
    c1 = jnp.tile(h1, 3).reshape(1, 3 * C)
    w2r = jnp.transpose(w2[:, :, 0, :], (2, 1, 0)).reshape(3 * C, C)

    y2, st2 = _k4(y1, a1, c1, w2r, b2.reshape(1, C))
    cnt2 = jnp.float32(BN)
    mean2 = st2[0] / cnt2
    var2 = st2[1] / cnt2 - mean2 * mean2
    s2 = (bn2_g / jnp.sqrt(var2 + 1e-5)).reshape(1, C)
    h2 = (bn2_b.reshape(1, C) - mean2.reshape(1, C) * s2)

    out = _k5(y2.reshape(B, N, C), s2, h2)
    return out.reshape(B, C, N, 1)

# --- scband reference (transcript-rebuilt; emitter-appended) ---
"""Pipeline reference for scband-knn-block-4243427688838 (READ-ONLY COPY).

The authoritative reference and input builder live on the scoring server;
editing this copy changes nothing except your own understanding.
"""

import jax, jax.numpy as jnp
import numpy as np

B, C, N, K = 8, 128, 2000, 9

def setup_inputs(seed: int = 0) -> dict:
    key = jax.random.key(seed)
    ks = jax.random.split(key, 4)
    features = jax.random.normal(ks[0], (B, C, N, 1), dtype=jnp.float32)
    gamma1 = jnp.ones((1,), dtype=jnp.float32)
    w1 = jax.random.normal(ks[1], (C, 2 * C, 1, 3), dtype=jnp.float32) * np.float32(1.0 / np.sqrt(2 * C * 3))
    b1 = jnp.zeros((C,), dtype=jnp.float32)
    bn1_g = jnp.ones((C,), dtype=jnp.float32)
    bn1_b = jnp.zeros((C,), dtype=jnp.float32)
    w2 = jax.random.normal(ks[2], (C, C, 1, 3), dtype=jnp.float32) * np.float32(1.0 / np.sqrt(C * 3))
    b2 = jnp.zeros((C,), dtype=jnp.float32)
    bn2_g = jnp.ones((C,), dtype=jnp.float32)
    bn2_b = jnp.zeros((C,), dtype=jnp.float32)
    return {"features": features, "gamma1": gamma1, "w1": w1, "b1": b1, "bn1_g": bn1_g, "bn1_b": bn1_b, "w2": w2, "b2": b2, "bn2_g": bn2_g, "bn2_b": bn2_b}

def _batch_norm(x, g, b, eps=1e-5):
    mean = jnp.mean(x, axis=(0, 2, 3), keepdims=True)
    var = jnp.var(x, axis=(0, 2, 3), keepdims=True)
    return (x - mean) / jnp.sqrt(var + eps) * g.reshape(1, -1, 1, 1) + b.reshape(1, -1, 1, 1)

def _conv2d(x, w, bias, stride):
    out = jax.lax.conv_general_dilated(x, w, window_strides=stride, padding="VALID", dimension_numbers=("NCHW", "OIHW", "NCHW"))
    return out + bias.reshape(1, -1, 1, 1)

def reference(features, gamma1, w1, b1, bn1_g, bn1_b, w2, b2, bn2_g, bn2_b):
    b_sz, c, n, _ = features.shape
    k = K
    g = 1.0 / (gamma1[0] * gamma1[0])
    x = features.reshape(b_sz, c, n)
    # knn2 (far == 1): pairwise scores, smallest-k neighbors
    xt = jnp.transpose(x, (0, 2, 1))  # [B, N, C]
    balance = -2.0 * jnp.matmul(xt, x)  # [B, N, N]
    xx = jnp.sum(x ** 2, axis=1, keepdims=True)  # [B, 1, N]
    val = 1.0 - g * xx + balance - jnp.transpose(xx, (0, 2, 1))
    _, idx = jax.lax.top_k(-val, k)  # smallest k -> top_k of negated [B, N, k]
    # get_graph_feature gather
    idx_base = jnp.arange(b_sz, dtype=idx.dtype).reshape(-1, 1, 1) * n
    idx_flat = (idx + idx_base).reshape(-1)
    xf = xt.reshape(b_sz * n, c)
    feature = jnp.take(xf, idx_flat, axis=0).reshape(b_sz, n, k, c)
    xr = jnp.broadcast_to(xt[:, :, None, :], (b_sz, n, k, c))
    feat = jnp.concatenate([xr, xr - feature], axis=3)  # [B, N, k, 2C]
    out = jnp.transpose(feat, (0, 3, 1, 2))  # [B, 2C, N, k]
    # conv block (knn_num == 9)
    out = _conv2d(out, w1, b1, (1, 3))
    out = _batch_norm(out, bn1_g, bn1_b)
    out = jax.nn.relu(out)
    out = _conv2d(out, w2, b2, (1, 1))
    out = _batch_norm(out, bn2_g, bn2_b)
    out = jax.nn.relu(out)
    return out

if __name__ == "__main__":
    import jax
    _d = setup_inputs()
    print(jax.jit(kernel)(*tuple(_d.values())))

</pallas_src>

<mosaic_0001>
#map = affine_map<(d0, d1) -> (0, 0)>
#map1 = affine_map<(d0, d1) -> (0)>
module attributes {stable_mosaic.version = 14 : i64} {
  func.func @_k2_body(%arg0: i32, %arg1: i32, %arg2: memref<16000x128xf32, #tpu.memory_space<hbm>>, %arg3: memref<147456xi32, #tpu.memory_space<hbm>>, %arg4: memref<147456x128xf32, #tpu.memory_space<hbm>>, %arg5: memref<4608xi32, #tpu.memory_space<vmem>>, %arg6: memref<128x128xf32, #tpu.memory_space<vmem>>, %arg7: memref<128x128xf32, #tpu.memory_space<vmem>>, %arg8: memref<128x128xf32, #tpu.memory_space<vmem>>, %arg9: memref<128x128xf32, #tpu.memory_space<vmem>>, %arg10: memref<!tpu.dma_semaphore, #tpu.memory_space<semaphore_mem>>, %arg11: memref<!tpu.dma_semaphore, #tpu.memory_space<semaphore_mem>>, %arg12: memref<!tpu.dma_semaphore, #tpu.memory_space<semaphore_mem>>, %arg13: memref<!tpu.dma_semaphore, #tpu.memory_space<semaphore_mem>>, %arg14: memref<!tpu.dma_semaphore, #tpu.memory_space<semaphore_mem>>, %arg15: memref<!tpu.dma_semaphore, #tpu.memory_space<semaphore_mem>>, %arg16: memref<!tpu.dma_semaphore, #tpu.memory_space<semaphore_mem>>, %arg17: memref<!tpu.dma_semaphore, #tpu.memory_space<semaphore_mem>>) attributes {dimension_semantics = [#tpu.dimension_semantics<core_parallel>, #tpu.dimension_semantics<subcore_parallel>], iteration_bounds = array<i64: 2, 16>, scalar_prefetch = 0 : i64, scratch_operands = 13 : i64, tpu.core_type = #tpu.core_type<sc_vector_subcore>, window_params = [{transform_indices = #map}, {transform_indices = #map1}, {transform_indices = #map}]} {
    %mul3A = arith.constant 2 : i32
    %mul3A_0 = arith.muli %arg1, %mul3A : i32
    %add3A = arith.addi %mul3A_0, %arg0 : i32
    %mul3A_1 = arith.constant 4608 : i32
    %mul3A_2 = arith.muli %add3A, %mul3A_1 : i32
    "tpu.region"() ({
      %run_scoped3A = tpu.sem_alloc : memref<!tpu.dma_semaphore, #tpu.memory_space<semaphore_mem>>
      %dma_start3A = tpu.memref_slice %arg3[%mul3A_2] : memref<147456xi32, #tpu.memory_space<hbm>> -> memref<4608xi32, #tpu.memory_space<hbm>>
      %dma_start3A_22 = tpu.memref_slice %arg3[%mul3A_2] : memref<147456xi32, #tpu.memory_space<hbm>> -> memref<4608xi32, #tpu.memory_space<hbm>>
      tpu.enqueue_dma source(%dma_start3A_22 : memref<4608xi32, #tpu.memory_space<hbm>>) target(%arg5 : memref<4608xi32, #tpu.memory_space<vmem>>) target_semaphore(%run_scoped3A : memref<!tpu.dma_semaphore, #tpu.memory_space<semaphore_mem>>)
      %dma_wait3A_23 = tpu.memref_slice %arg3[%mul3A_2] : memref<147456xi32, #tpu.memory_space<hbm>> -> memref<4608xi32, #tpu.memory_space<hbm>>
      %dma_wait3A_24 = tpu.memref_slice %arg3[%mul3A_2] : memref<147456xi32, #tpu.memory_space<hbm>> -> memref<4608xi32, #tpu.memory_space<hbm>>
      tpu.wait_dma2 semaphore(%run_scoped3A : memref<!tpu.dma_semaphore, #tpu.memory_space<semaphore_mem>>) src(%dma_wait3A_24 : memref<4608xi32, #tpu.memory_space<hbm>>) dst(%arg5 : memref<4608xi32, #tpu.memory_space<vmem>>)
      tpu.yield
    }) : () -> ()
    %scan3A = arith.constant 0 : i32
    %scan3A_3 = arith.constant 9 : i32
    %scan3A_4 = arith.addi %scan3A, %scan3A_3 : i32
    %scan3A_5 = arith.constant 1 : i32
    scf.for %scan3A_22 = %scan3A to %scan3A_4 step %scan3A_5  : i32 {
      %mul3A_23 = arith.constant 4 : i32
      %mul3A_24 = arith.muli %mul3A_23, %scan3A_22 : i32
      %gt3A = arith.constant 0 : i32
      %gt3A_25 = arith.cmpi sgt, %scan3A_22, %gt3A : i32
      %convert_element_type3A = arith.extui %gt3A_25 : i1 to i32
      %cond3A = arith.constant 0 : i32
      %cond3A_26 = arith.cmpi ne, %convert_element_type3A, %cond3A : i32
      scf.if %cond3A_26 {
        %dma_wait3A_119 = arith.constant 0 : i32
        %dma_wait3A_120 = tpu.memref_slice %arg4[%mul3A_2, %dma_wait3A_119] : memref<147456x128xf32, #tpu.memory_space<hbm>> -> memref<128x128xf32, #tpu.memory_space<hbm>>
        %dma_wait3A_121 = arith.constant 0 : i32
        %dma_wait3A_122 = tpu.memref_slice %arg4[%mul3A_2, %dma_wait3A_121] : memref<147456x128xf32, #tpu.memory_space<hbm>> -> memref<128x128xf32, #tpu.memory_space<hbm>>
        tpu.wait_dma2 semaphore(%arg14 : memref<!tpu.dma_semaphore, #tpu.memory_space<semaphore_mem>>) src(%arg6 : memref<128x128xf32, #tpu.memory_space<vmem>>) dst(%dma_wait3A_122 : memref<128x128xf32, #tpu.memory_space<hbm>>)
        %dma_wait3A_123 = arith.constant 0 : i32
        %dma_wait3A_124 = tpu.memref_slice %arg4[%mul3A_2, %dma_wait3A_123] : memref<147456x128xf32, #tpu.memory_space<hbm>> -> memref<128x128xf32, #tpu.memory_space<hbm>>
        %dma_wait3A_125 = arith.constant 0 : i32
        %dma_wait3A_126 = tpu.memref_slice %arg4[%mul3A_2, %dma_wait3A_125] : memref<147456x128xf32, #tpu.memory_space<hbm>> -> memref<128x128xf32, #tpu.memory_space<hbm>>
        tpu.wait_dma2 semaphore(%arg15 : memref<!tpu.dma_semaphore, #tpu.memory_space<semaphore_mem>>) src(%arg7 : memref<128x128xf32, #tpu.memory_space<vmem>>) dst(%dma_wait3A_126 : memref<128x128xf32, #tpu.memory_space<hbm>>)
      } else {
      }
      %mul3A_27 = arith.constant 128 : i32
      %mul3A_28 = arith.muli %mul3A_24, %mul3A_27 : i32
      %dma_start3A = tpu.memref_slice %arg5[%mul3A_28] : memref<4608xi32, #tpu.memory_space<vmem>> -> memref<128xi32, #tpu.memory_space<vmem>>
      %dma_start3A_29 = arith.constant 0 : i32
      %dma_start3A_30 = arith.constant 0 : i32
      %dma_start3A_31 = tpu.memref_slice %arg2[%dma_start3A_29, %dma_start3A_30] : memref<16000x128xf32, #tpu.memory_space<hbm>> -> memref<16000x128xf32, #tpu.memory_space<hbm>>
      tpu.enqueue_indirect_dma source(%dma_start3A_31 : memref<16000x128xf32, #tpu.memory_space<hbm>>) target(%arg6 : memref<128x128xf32, #tpu.memory_space<vmem>>) offsets(%dma_start3A : memref<128xi32, #tpu.memory_space<vmem>>) semaphore(%arg10 : memref<!tpu.dma_semaphore, #tpu.memory_space<semaphore_mem>>)
      %add3A_32 = arith.constant 1 : i32
      %add3A_33 = arith.addi %mul3A_24, %add3A_32 : i32
      %mul3A_34 = arith.constant 128 : i32
      %mul3A_35 = arith.muli %add3A_33, %mul3A_34 : i32
      %dma_start3A_36 = tpu.memref_slice %arg5[%mul3A_35] : memref<4608xi32, #tpu.memory_space<vmem>> -> memref<128xi32, #tpu.memory_space<vmem>>
      %dma_start3A_37 = arith.constant 0 : i32
      %dma_start3A_38 = arith.constant 0 : i32
      %dma_start3A_39 = tpu.memref_slice %arg2[%dma_start3A_37, %dma_start3A_38] : memref<16000x128xf32, #tpu.memory_space<hbm>> -> memref<16000x128xf32, #tpu.memory_space<hbm>>
      tpu.enqueue_indirect_dma source(%dma_start3A_39 : memref<16000x128xf32, #tpu.memory_space<hbm>>) target(%arg7 : memref<128x128xf32, #tpu.memory_space<vmem>>) offsets(%dma_start3A_36 : memref<128xi32, #tpu.memory_space<vmem>>) semaphore(%arg11 : memref<!tpu.dma_semaphore, #tpu.memory_space<semaphore_mem>>)
      %gt3A_40 = arith.constant 0 : i32
      %gt3A_41 = arith.cmpi sgt, %scan3A_22, %gt3A_40 : i32
      %convert_element_type3A_42 = arith.extui %gt3A_41 : i1 to i32
      %cond3A_43 = arith.constant 0 : i32
      %cond3A_44 = arith.cmpi ne, %convert_element_type3A_42, %cond3A_43 : i32
      scf.if %cond3A_44 {
        %dma_wait3A_119 = arith.constant 0 : i32
        %dma_wait3A_120 = tpu.memref_slice %arg4[%mul3A_2, %dma_wait3A_119] : memref<147456x128xf32, #tpu.memory_space<hbm>> -> memref<128x128xf32, #tpu.memory_space<hbm>>
        %dma_wait3A_121 = arith.constant 0 : i32
        %dma_wait3A_122 = tpu.memref_slice %arg4[%mul3A_2, %dma_wait3A_121] : memref<147456x128xf32, #tpu.memory_space<hbm>> -> memref<128x128xf32, #tpu.memory_space<hbm>>
        tpu.wait_dma2 semaphore(%arg16 : memref<!tpu.dma_semaphore, #tpu.memory_space<semaphore_mem>>) src(%arg8 : memref<128x128xf32, #tpu.memory_space<vmem>>) dst(%dma_wait3A_122 : memref<128x128xf32, #tpu.memory_space<hbm>>)
        %dma_wait3A_123 = arith.constant 0 : i32
        %dma_wait3A_124 = tpu.memref_slice %arg4[%mul3A_2, %dma_wait3A_123] : memref<147456x128xf32, #tpu.memory_space<hbm>> -> memref<128x128xf32, #tpu.memory_space<hbm>>
        %dma_wait3A_125 = arith.constant 0 : i32
        %dma_wait3A_126 = tpu.memref_slice %arg4[%mul3A_2, %dma_wait3A_125] : memref<147456x128xf32, #tpu.memory_space<hbm>> -> memref<128x128xf32, #tpu.memory_space<hbm>>
        tpu.wait_dma2 semaphore(%arg17 : memref<!tpu.dma_semaphore, #tpu.memory_space<semaphore_mem>>) src(%arg9 : memref<128x128xf32, #tpu.memory_space<vmem>>) dst(%dma_wait3A_126 : memref<128x128xf32, #tpu.memory_space<hbm>>)
      } else {
      }
      %dma_wait3A_45 = arith.constant 0 : i32
      %dma_wait3A_46 = arith.constant 0 : i32
      %dma_wait3A_47 = tpu.memref_slice %arg2[%dma_wait3A_45, %dma_wait3A_46] : memref<16000x128xf32, #tpu.memory_space<hbm>> -> memref<128x128xf32, #tpu.memory_space<hbm>>
      %dma_wait3A_48 = arith.constant 0 : i32
      %dma_wait3A_49 = arith.constant 0 : i32
      %dma_wait3A_50 = tpu.memref_slice %arg2[%dma_wait3A_48, %dma_wait3A_49] : memref<16000x128xf32, #tpu.memory_space<hbm>> -> memref<128x128xf32, #tpu.memory_space<hbm>>
      tpu.wait_dma2 semaphore(%arg10 : memref<!tpu.dma_semaphore, #tpu.memory_space<semaphore_mem>>) src(%dma_wait3A_50 : memref<128x128xf32, #tpu.memory_space<hbm>>) dst(%arg6 : memref<128x128xf32, #tpu.memory_space<vmem>>)
      %dma_wait3A_51 = arith.constant 0 : i32
      %dma_wait3A_52 = arith.constant 0 : i32
      %dma_wait3A_53 = tpu.memref_slice %arg2[%dma_wait3A_51, %dma_wait3A_52] : memref<16000x128xf32, #tpu.memory_space<hbm>> -> memref<128x128xf32, #tpu.memory_space<hbm>>
      %dma_wait3A_54 = arith.constant 0 : i32
      %dma_wait3A_55 = arith.constant 0 : i32
      %dma_wait3A_56 = tpu.memref_slice %arg2[%dma_wait3A_54, %dma_wait3A_55] : memref<16000x128xf32, #tpu.memory_space<hbm>> -> memref<128x128xf32, #tpu.memory_space<hbm>>
      tpu.wait_dma2 semaphore(%arg11 : memref<!tpu.dma_semaphore, #tpu.memory_space<semaphore_mem>>) src(%dma_wait3A_56 : memref<128x128xf32, #tpu.memory_space<hbm>>) dst(%arg7 : memref<128x128xf32, #tpu.memory_space<vmem>>)
      %mul3A_57 = arith.constant 128 : i32
      %mul3A_58 = arith.muli %mul3A_24, %mul3A_57 : i32
      %add3A_59 = arith.addi %mul3A_2, %mul3A_58 : i32
      %dma_start3A_60 = arith.constant 0 : i32
      %dma_start3A_61 = tpu.memref_slice %arg4[%add3A_59, %dma_start3A_60] : memref<147456x128xf32, #tpu.memory_space<hbm>> -> memref<128x128xf32, #tpu.memory_space<hbm>>
      %dma_start3A_62 = arith.constant 0 : i32
      %dma_start3A_63 = tpu.memref_slice %arg4[%add3A_59, %dma_start3A_62] : memref<147456x128xf32, #tpu.memory_space<hbm>> -> memref<128x128xf32, #tpu.memory_space<hbm>>
      tpu.enqueue_dma source(%arg6 : memref<128x128xf32, #tpu.memory_space<vmem>>) target(%dma_start3A_63 : memref<128x128xf32, #tpu.memory_space<hbm>>) target_semaphore(%arg14 : memref<!tpu.dma_semaphore, #tpu.memory_space<semaphore_mem>>)
      %add3A_64 = arith.constant 1 : i32
      %add3A_65 = arith.addi %mul3A_24, %add3A_64 : i32
      %mul3A_66 = arith.constant 128 : i32
      %mul3A_67 = arith.muli %add3A_65, %mul3A_66 : i32
      %add3A_68 = arith.addi %mul3A_2, %mul3A_67 : i32
      %dma_start3A_69 = arith.constant 0 : i32
      %dma_start3A_70 = tpu.memref_slice %arg4[%add3A_68, %dma_start3A_69] : memref<147456x128xf32, #tpu.memory_space<hbm>> -> memref<128x128xf32, #tpu.memory_space<hbm>>
      %dma_start3A_71 = arith.constant 0 : i32
      %dma_start3A_72 = tpu.memref_slice %arg4[%add3A_68, %dma_start3A_71] : memref<147456x128xf32, #tpu.memory_space<hbm>> -> memref<128x128xf32, #tpu.memory_space<hbm>>
      tpu.enqueue_dma source(%arg7 : memref<128x128xf32, #tpu.memory_space<vmem>>) target(%dma_start3A_72 : memref<128x128xf32, #tpu.memory_space<hbm>>) target_semaphore(%arg15 : memref<!tpu.dma_semaphore, #tpu.memory_space<semaphore_mem>>)
      %add3A_73 = arith.constant 2 : i32
      %add3A_74 = arith.addi %mul3A_24, %add3A_73 : i32
      %mul3A_75 = arith.constant 128 : i32
      %mul3A_76 = arith.muli %add3A_74, %mul3A_75 : i32
      %dma_start3A_77 = tpu.memref_slice %arg5[%mul3A_76] : memref<4608xi32, #tpu.memory_space<vmem>> -> memref<128xi32, #tpu.memory_space<vmem>>
      %dma_start3A_78 = arith.constant 0 : i32
      %dma_start3A_79 = arith.constant 0 : i32
      %dma_start3A_80 = tpu.memref_slice %arg2[%dma_start3A_78, %dma_start3A_79] : memref<16000x128xf32, #tpu.memory_space<hbm>> -> memref<16000x128xf32, #tpu.memory_space<hbm>>
      tpu.enqueue_indirect_dma source(%dma_start3A_80 : memref<16000x128xf32, #tpu.memory_space<hbm>>) target(%arg8 : memref<128x128xf32, #tpu.memory_space<vmem>>) offsets(%dma_start3A_77 : memref<128xi32, #tpu.memory_space<vmem>>) semaphore(%arg12 : memref<!tpu.dma_semaphore, #tpu.memory_space<semaphore_mem>>)
      %add3A_81 = arith.constant 3 : i32
      %add3A_82 = arith.addi %mul3A_24, %add3A_81 : i32
      %mul3A_83 = arith.constant 128 : i32
      %mul3A_84 = arith.muli %add3A_82, %mul3A_83 : i32
      %dma_start3A_85 = tpu.memref_slice %arg5[%mul3A_84] : memref<4608xi32, #tpu.memory_space<vmem>> -> memref<128xi32, #tpu.memory_space<vmem>>
      %dma_start3A_86 = arith.constant 0 : i32
      %dma_start3A_87 = arith.constant 0 : i32
      %dma_start3A_88 = tpu.memref_slice %arg2[%dma_start3A_86, %dma_start3A_87] : memref<16000x128xf32, #tpu.memory_space<hbm>> -> memref<16000x128xf32, #tpu.memory_space<hbm>>
      tpu.enqueue_indirect_dma source(%dma_start3A_88 : memref<16000x128xf32, #tpu.memory_space<hbm>>) target(%arg9 : memref<128x128xf32, #tpu.memory_space<vmem>>) offsets(%dma_start3A_85 : memref<128xi32, #tpu.memory_space<vmem>>) semaphore(%arg13 : memref<!tpu.dma_semaphore, #tpu.memory_space<semaphore_mem>>)
      %dma_wait3A_89 = arith.constant 0 : i32
      %dma_wait3A_90 = arith.constant 0 : i32
      %dma_wait3A_91 = tpu.memref_slice %arg2[%dma_wait3A_89, %dma_wait3A_90] : memref<16000x128xf32, #tpu.memory_space<hbm>> -> memref<128x128xf32, #tpu.memory_space<hbm>>
      %dma_wait3A_92 = arith.constant 0 : i32
      %dma_wait3A_93 = arith.constant 0 : i32
      %dma_wait3A_94 = tpu.memref_slice %arg2[%dma_wait3A_92, %dma_wait3A_93] : memref<16000x128xf32, #tpu.memory_space<hbm>> -> memref<128x128xf32, #tpu.memory_space<hbm>>
      tpu.wait_dma2 semaphore(%arg12 : memref<!tpu.dma_semaphore, #tpu.memory_space<semaphore_mem>>) src(%dma_wait3A_94 : memref<128x128xf32, #tpu.memory_space<hbm>>) dst(%arg8 : memref<128x128xf32, #tpu.memory_space<vmem>>)
      %dma_wait3A_95 = arith.constant 0 : i32
      %dma_wait3A_96 = arith.constant 0 : i32
      %dma_wait3A_97 = tpu.memref_slice %arg2[%dma_wait3A_95, %dma_wait3A_96] : memref<16000x128xf32, #tpu.memory_space<hbm>> -> memref<128x128xf32, #tpu.memory_space<hbm>>
      %dma_wait3A_98 = arith.constant 0 : i32
      %dma_wait3A_99 = arith.constant 0 : i32
      %dma_wait3A_100 = tpu.memref_slice %arg2[%dma_wait3A_98, %dma_wait3A_99] : memref<16000x128xf32, #tpu.memory_space<hbm>> -> memref<128x128xf32, #tpu.memory_space<hbm>>
      tpu.wait_dma2 semaphore(%arg13 : memref<!tpu.dma_semaphore, #tpu.memory_space<semaphore_mem>>) src(%dma_wait3A_100 : memref<128x128xf32, #tpu.memory_space<hbm>>) dst(%arg9 : memref<128x128xf32, #tpu.memory_space<vmem>>)
      %add3A_101 = arith.constant 2 : i32
      %add3A_102 = arith.addi %mul3A_24, %add3A_101 : i32
      %mul3A_103 = arith.constant 128 : i32
      %mul3A_104 = arith.muli %add3A_102, %mul3A_103 : i32
      %add3A_105 = arith.addi %mul3A_2, %mul3A_104 : i32
      %dma_start3A_106 = arith.constant 0 : i32
      %dma_start3A_107 = tpu.memref_slice %arg4[%add3A_105, %dma_start3A_106] : memref<147456x128xf32, #tpu.memory_space<hbm>> -> memref<128x128xf32, #tpu.memory_space<hbm>>
      %dma_start3A_108 = arith.constant 0 : i32
      %dma_start3A_109 = tpu.memref_slice %arg4[%add3A_105, %dma_start3A_108] : memref<147456x128xf32, #tpu.memory_space<hbm>> -> memref<128x128xf32, #tpu.memory_space<hbm>>
      tpu.enqueue_dma source(%arg8 : memref<128x128xf32, #tpu.memory_space<vmem>>) target(%dma_start3A_109 : memref<128x128xf32, #tpu.memory_space<hbm>>) target_semaphore(%arg16 : memref<!tpu.dma_semaphore, #tpu.memory_space<semaphore_mem>>)
      %add3A_110 = arith.constant 3 : i32
      %add3A_111 = arith.addi %mul3A_24, %add3A_110 : i32
      %mul3A_112 = arith.constant 128 : i32
      %mul3A_113 = arith.muli %add3A_111, %mul3A_112 : i32
      %add3A_114 = arith.addi %mul3A_2, %mul3A_113 : i32
      %dma_start3A_115 = arith.constant 0 : i32
      %dma_start3A_116 = tpu.memref_slice %arg4[%add3A_114, %dma_start3A_115] : memref<147456x128xf32, #tpu.memory_space<hbm>> -> memref<128x128xf32, #tpu.memory_space<hbm>>
      %dma_start3A_117 = arith.constant 0 : i32
      %dma_start3A_118 = tpu.memref_slice %arg4[%add3A_114, %dma_start3A_117] : memref<147456x128xf32, #tpu.memory_space<hbm>> -> memref<128x128xf32, #tpu.memory_space<hbm>>
      tpu.enqueue_dma source(%arg9 : memref<128x128xf32, #tpu.memory_space<vmem>>) target(%dma_start3A_118 : memref<128x128xf32, #tpu.memory_space<hbm>>) target_semaphore(%arg17 : memref<!tpu.dma_semaphore, #tpu.memory_space<semaphore_mem>>)
    }
    %scan3A_6 = arith.constant 9 : i32
    %dma_wait3A = arith.constant 0 : i32
    %dma_wait3A_7 = tpu.memref_slice %arg4[%mul3A_2, %dma_wait3A] : memref<147456x128xf32, #tpu.memory_space<hbm>> -> memref<128x128xf32, #tpu.memory_space<hbm>>
    %dma_wait3A_8 = arith.constant 0 : i32
    %dma_wait3A_9 = tpu.memref_slice %arg4[%mul3A_2, %dma_wait3A_8] : memref<147456x128xf32, #tpu.memory_space<hbm>> -> memref<128x128xf32, #tpu.memory_space<hbm>>
    tpu.wait_dma2 semaphore(%arg14 : memref<!tpu.dma_semaphore, #tpu.memory_space<semaphore_mem>>) src(%arg6 : memref<128x128xf32, #tpu.memory_space<vmem>>) dst(%dma_wait3A_9 : memref<128x128xf32, #tpu.memory_space<hbm>>)
    %dma_wait3A_10 = arith.constant 0 : i32
    %dma_wait3A_11 = tpu.memref_slice %arg4[%mul3A_2, %dma_wait3A_10] : memref<147456x128xf32, #tpu.memory_space<hbm>> -> memref<128x128xf32, #tpu.memory_space<hbm>>
    %dma_wait3A_12 = arith.constant 0 : i32
    %dma_wait3A_13 = tpu.memref_slice %arg4[%mul3A_2, %dma_wait3A_12] : memref<147456x128xf32, #tpu.memory_space<hbm>> -> memref<128x128xf32, #tpu.memory_space<hbm>>
    tpu.wait_dma2 semaphore(%arg15 : memref<!tpu.dma_semaphore, #tpu.memory_space<semaphore_mem>>) src(%arg7 : memref<128x128xf32, #tpu.memory_space<vmem>>) dst(%dma_wait3A_13 : memref<128x128xf32, #tpu.memory_space<hbm>>)
    %dma_wait3A_14 = arith.constant 0 : i32
    %dma_wait3A_15 = tpu.memref_slice %arg4[%mul3A_2, %dma_wait3A_14] : memref<147456x128xf32, #tpu.memory_space<hbm>> -> memref<128x128xf32, #tpu.memory_space<hbm>>
    %dma_wait3A_16 = arith.constant 0 : i32
    %dma_wait3A_17 = tpu.memref_slice %arg4[%mul3A_2, %dma_wait3A_16] : memref<147456x128xf32, #tpu.memory_space<hbm>> -> memref<128x128xf32, #tpu.memory_space<hbm>>
    tpu.wait_dma2 semaphore(%arg16 : memref<!tpu.dma_semaphore, #tpu.memory_space<semaphore_mem>>) src(%arg8 : memref<128x128xf32, #tpu.memory_space<vmem>>) dst(%dma_wait3A_17 : memref<128x128xf32, #tpu.memory_space<hbm>>)
    %dma_wait3A_18 = arith.constant 0 : i32
    %dma_wait3A_19 = tpu.memref_slice %arg4[%mul3A_2, %dma_wait3A_18] : memref<147456x128xf32, #tpu.memory_space<hbm>> -> memref<128x128xf32, #tpu.memory_space<hbm>>
    %dma_wait3A_20 = arith.constant 0 : i32
    %dma_wait3A_21 = tpu.memref_slice %arg4[%mul3A_2, %dma_wait3A_20] : memref<147456x128xf32, #tpu.memory_space<hbm>> -> memref<128x128xf32, #tpu.memory_space<hbm>>
    tpu.wait_dma2 semaphore(%arg17 : memref<!tpu.dma_semaphore, #tpu.memory_space<semaphore_mem>>) src(%arg9 : memref<128x128xf32, #tpu.memory_space<vmem>>) dst(%dma_wait3A_21 : memref<128x128xf32, #tpu.memory_space<hbm>>)
    return
  }
}

module attributes {stable_mosaic.version = 14 : i64} {
  func.func @_k1_body(%arg0: i32, %arg1: i32, %arg2: memref<1x1xf32, #tpu.memory_space<vmem>>, %arg3: memref<1x128x2000xf32, #tpu.memory_space<vmem>>, %arg4: memref<1x400x128xf32, #tpu.memory_space<vmem>>, %arg5: memref<1x400x128xi32, #tpu.memory_space<vmem>>) attributes {dimension_semantics = [#tpu.dimension_semantics<arbitrary>, #tpu.dimension_semantics<arbitrary>], iteration_bounds = array<i64: 8, 5>, scalar_prefetch = 0 : i64, scratch_operands = 0 : i64, tpu.core_type = #tpu.core_type<tc>, window_params = [{pipeline_mode = #tpu.pipeline_mode<synchronous>, transform_indices = @transform_0, window_bounds = array<i64: 1, 1>}, {transform_indices = @transform_1, window_bounds = array<i64: 1, 128, 2000>}, {transform_indices = @transform_2, window_bounds = array<i64: 1, 400, 128>}, {transform_indices = @transform_3, window_bounds = array<i64: 1, 400, 128>}]} {
    %get3A = arith.constant 0 : index
    %get3A_0 = arith.constant 0 : index
    %get3A_1 = vector.load %arg2[%get3A, %get3A_0] : memref<1x1xf32, #tpu.memory_space<vmem>>, vector<1x1xf32>
    %get3A_2 = vector.extract %get3A_1[0, 0] : f32 from vector<1x1xf32>
    %get3A_3 = arith.constant 0 : index
    %get3A_4 = arith.constant 0 : index
    %get3A_5 = arith.constant 0 : index
    %get3A_6 = vector.load %arg3[%get3A_3, %get3A_4, %get3A_5] : memref<1x128x2000xf32, #tpu.memory_space<vmem>>, vector<1x128x2000xf32>
    %get3A_7 = vector.shape_cast %get3A_6 : vector<1x128x2000xf32> to vector<128x2000xf32>
    %get3A_8 = arith.constant 0 : index
    %get3A_9 = arith.constant 0 : index
    %get3A_10 = arith.constant 0 : index
    %get3A_11 = vector.load %arg4[%get3A_8, %get3A_9, %get3A_10] : memref<1x400x128xf32, #tpu.memory_space<vmem>>, vector<1x400x128xf32>
    %get3A_12 = vector.shape_cast %get3A_11 : vector<1x400x128xf32> to vector<400x128xf32>
    %mul3A = arith.mulf %get3A_7, %get3A_7 : vector<128x2000xf32>
    %reduce_sum3A = arith.constant dense<0.000000e+00> : vector<2000xf32>
    %reduce_sum3A_13 = vector.multi_reduction <add>, %mul3A, %reduce_sum3A [0] : vector<128x2000xf32> to vector<2000xf32>
    %broadcast_in_dim3A = vector.shape_cast %reduce_sum3A_13 : vector<2000xf32> to vector<1x2000xf32>
    %mul3A_14 = arith.mulf %get3A_12, %get3A_12 : vector<400x128xf32>
    %reduce_sum3A_15 = arith.constant dense<0.000000e+00> : vector<400xf32>
    %reduce_sum3A_16 = vector.multi_reduction <add>, %mul3A_14, %reduce_sum3A_15 [1] : vector<400x128xf32> to vector<400xf32>
    %broadcast_in_dim3A_17 = vector.shape_cast %reduce_sum3A_16 : vector<400xf32> to vector<400x1xf32>
    %dot_general3A = arith.constant dense<0.000000e+00> : vector<400x2000xf32>
    %dot_general3A_18 = tpu.matmul %get3A_12, %get3A_7, %dot_general3A {dimension_numbers = #tpu.dot_dimension_numbers<[1], [0], [0], [1], [0, 0, 1, 1], [], []>, transpose_lhs_hint = false} : vector<400x128xf32>, vector<128x2000xf32>, vector<400x2000xf32> -> vector<400x2000xf32>
    %mul3A_19 = arith.constant -2.000000e+00 : f32
    %mul3A_20 = vector.broadcast %mul3A_19 : f32 to vector<400x2000xf32>
    %mul3A_21 = arith.mulf %mul3A_20, %dot_general3A_18 : vector<400x2000xf32>
    %mul3A_22 = vector.broadcast %get3A_2 : f32 to vector<1x2000xf32>
    %mul3A_23 = arith.mulf %mul3A_22, %broadcast_in_dim3A : vector<1x2000xf32>
    %sub3A = arith.constant 1.000000e+00 : f32
    %sub3A_24 = vector.broadcast %sub3A : f32 to vector<1x2000xf32>
    %sub3A_25 = arith.subf %sub3A_24, %mul3A_23 : vector<1x2000xf32>
    %add3A = vector.broadcast %sub3A_25 : vector<1x2000xf32> to vector<400x2000xf32>
    %add3A_26 = arith.addf %add3A, %mul3A_21 : vector<400x2000xf32>
    %sub3A_27 = vector.broadcast %broadcast_in_dim3A_17 : vector<400x1xf32> to vector<400x2000xf32>
    %sub3A_28 = arith.subf %add3A_26, %sub3A_27 : vector<400x2000xf32>
    %iota3A = tpu.iota {dimensions = array<i32: 1>} : vector<400x2000xi32>
    %iota3A_29 = tpu.iota {dimensions = array<i32: 1>} : vector<400x128xi32>
    %broadcast_in_dim3A_30 = arith.constant 0 : i32
    %broadcast_in_dim3A_31 = vector.broadcast %broadcast_in_dim3A_30 : i32 to vector<400x128xi32>
    %mul3A_32 = arith.constant 2000 : i32
    %mul3A_33 = arith.muli %arg0, %mul3A_32 : i32
    %reduce_min3A = arith.constant dense<0x7F800000> : vector<400xf32>
    %reduce_min3A_34 = vector.multi_reduction <minimumf>, %sub3A_28, %reduce_min3A [1] : vector<400x2000xf32> to vector<400xf32>
    %broadcast_in_dim3A_35 = vector.shape_cast %reduce_min3A_34 : vector<400xf32> to vector<400x1xf32>
    %eq3A = vector.broadcast %broadcast_in_dim3A_35 : vector<400x1xf32> to vector<400x2000xf32>
    %eq3A_36 = arith.cmpf oeq, %sub3A_28, %eq3A : vector<400x2000xf32>
    %jit3A = arith.constant 2000 : i32
    %broadcast_in_dim3A_37 = vector.broadcast %jit3A : i32 to vector<400x2000xi32>
    %select_n3A = arith.select %eq3A_36, %iota3A, %broadcast_in_dim3A_37 : vector<400x2000xi1>, vector<400x2000xi32>
    %reduce_min3A_38 = arith.constant dense<2147483647> : vector<400xi32>
    %reduce_min3A_39 = vector.multi_reduction <minsi>, %select_n3A, %reduce_min3A_38 [1] : vector<400x2000xi32> to vector<400xi32>
    %broadcast_in_dim3A_40 = vector.shape_cast %reduce_min3A_39 : vector<400xi32> to vector<400x1xi32>
    %eq3A_41 = arith.constant 0 : i32
    %eq3A_42 = vector.broadcast %eq3A_41 : i32 to vector<400x128xi32>
    %eq3A_43 = arith.cmpi eq, %iota3A_29, %eq3A_42 : vector<400x128xi32>
    %add3A_44 = vector.broadcast %mul3A_33 : i32 to vector<400x1xi32>
    %add3A_45 = arith.addi %broadcast_in_dim3A_40, %add3A_44 : vector<400x1xi32>
    %broadcast_in_dim3A_46 = vector.shape_cast %add3A_45 : vector<400x1xi32> to vector<400x1xi32>
    %broadcast_in_dim3A_47 = vector.broadcast %broadcast_in_dim3A_46 : vector<400x1xi32> to vector<400x128xi32>
    %select_n3A_48 = arith.select %eq3A_43, %broadcast_in_dim3A_47, %broadcast_in_dim3A_31 : vector<400x128xi1>, vector<400x128xi32>
    %eq3A_49 = vector.broadcast %broadcast_in_dim3A_40 : vector<400x1xi32> to vector<400x2000xi32>
    %eq3A_50 = arith.cmpi eq, %iota3A, %eq3A_49 : vector<400x2000xi32>
    %jit3A_51 = arith.constant 0x7F800000 : f32
    %broadcast_in_dim3A_52 = vector.broadcast %jit3A_51 : f32 to vector<400x2000xf32>
    %select_n3A_53 = arith.select %eq3A_50, %broadcast_in_dim3A_52, %sub3A_28 : vector<400x2000xi1>, vector<400x2000xf32>
    %reduce_min3A_54 = arith.constant dense<0x7F800000> : vector<400xf32>
    %reduce_min3A_55 = vector.multi_reduction <minimumf>, %select_n3A_53, %reduce_min3A_54 [1] : vector<400x2000xf32> to vector<400xf32>
    %broadcast_in_dim3A_56 = vector.shape_cast %reduce_min3A_55 : vector<400xf32> to vector<400x1xf32>
    %eq3A_57 = vector.broadcast %broadcast_in_dim3A_56 : vector<400x1xf32> to vector<400x2000xf32>
    %eq3A_58 = arith.cmpf oeq, %select_n3A_53, %eq3A_57 : vector<400x2000xf32>
    %jit3A_59 = arith.constant 2000 : i32
    %broadcast_in_dim3A_60 = vector.broadcast %jit3A_59 : i32 to vector<400x2000xi32>
    %select_n3A_61 = arith.select %eq3A_58, %iota3A, %broadcast_in_dim3A_60 : vector<400x2000xi1>, vector<400x2000xi32>
    %reduce_min3A_62 = arith.constant dense<2147483647> : vector<400xi32>
    %reduce_min3A_63 = vector.multi_reduction <minsi>, %select_n3A_61, %reduce_min3A_62 [1] : vector<400x2000xi32> to vector<400xi32>
    %broadcast_in_dim3A_64 = vector.shape_cast %reduce_min3A_63 : vector<400xi32> to vector<400x1xi32>
    %eq3A_65 = arith.constant 1 : i32
    %eq3A_66 = vector.broadcast %eq3A_65 : i32 to vector<400x128xi32>
    %eq3A_67 = arith.cmpi eq, %iota3A_29, %eq3A_66 : vector<400x128xi32>
    %add3A_68 = vector.broadcast %mul3A_33 : i32 to vector<400x1xi32>
    %add3A_69 = arith.addi %broadcast_in_dim3A_64, %add3A_68 : vector<400x1xi32>
    %broadcast_in_dim3A_70 = vector.shape_cast %add3A_69 : vector<400x1xi32> to vector<400x1xi32>
    %broadcast_in_dim3A_71 = vector.broadcast %broadcast_in_dim3A_70 : vector<400x1xi32> to vector<400x128xi32>
    %select_n3A_72 = arith.select %eq3A_67, %broadcast_in_dim3A_71, %select_n3A_48 : vector<400x128xi1>, vector<400x128xi32>
    %eq3A_73 = vector.broadcast %broadcast_in_dim3A_64 : vector<400x1xi32> to vector<400x2000xi32>
    %eq3A_74 = arith.cmpi eq, %iota3A, %eq3A_73 : vector<400x2000xi32>
    %jit3A_75 = arith.constant 0x7F800000 : f32
    %broadcast_in_dim3A_76 = vector.broadcast %jit3A_75 : f32 to vector<400x2000xf32>
    %select_n3A_77 = arith.select %eq3A_74, %broadcast_in_dim3A_76, %select_n3A_53 : vector<400x2000xi1>, vector<400x2000xf32>
    %reduce_min3A_78 = arith.constant dense<0x7F800000> : vector<400xf32>
    %reduce_min3A_79 = vector.multi_reduction <minimumf>, %select_n3A_77, %reduce_min3A_78 [1] : vector<400x2000xf32> to vector<400xf32>
    %broadcast_in_dim3A_80 = vector.shape_cast %reduce_min3A_79 : vector<400xf32> to vector<400x1xf32>
    %eq3A_81 = vector.broadcast %broadcast_in_dim3A_80 : vector<400x1xf32> to vector<400x2000xf32>
    %eq3A_82 = arith.cmpf oeq, %select_n3A_77, %eq3A_81 : vector<400x2000xf32>
    %jit3A_83 = arith.constant 2000 : i32
    %broadcast_in_dim3A_84 = vector.broadcast %jit3A_83 : i32 to vector<400x2000xi32>
    %select_n3A_85 = arith.select %eq3A_82, %iota3A, %broadcast_in_dim3A_84 : vector<400x2000xi1>, vector<400x2000xi32>
    %reduce_min3A_86 = arith.constant dense<2147483647> : vector<400xi32>
    %reduce_min3A_87 = vector.multi_reduction <minsi>, %select_n3A_85, %reduce_min3A_86 [1] : vector<400x2000xi32> to vector<400xi32>
    %broadcast_in_dim3A_88 = vector.shape_cast %reduce_min3A_87 : vector<400xi32> to vector<400x1xi32>
    %eq3A_89 = arith.constant 2 : i32
    %eq3A_90 = vector.broadcast %eq3A_89 : i32 to vector<400x128xi32>
    %eq3A_91 = arith.cmpi eq, %iota3A_29, %eq3A_90 : vector<400x128xi32>
    %add3A_92 = vector.broadcast %mul3A_33 : i32 to vector<400x1xi32>
    %add3A_93 = arith.addi %broadcast_in_dim3A_88, %add3A_92 : vector<400x1xi32>
    %broadcast_in_dim3A_94 = vector.shape_cast %add3A_93 : vector<400x1xi32> to vector<400x1xi32>
    %broadcast_in_dim3A_95 = vector.broadcast %broadcast_in_dim3A_94 : vector<400x1xi32> to vector<400x128xi32>
    %select_n3A_96 = arith.select %eq3A_91, %broadcast_in_dim3A_95, %select_n3A_72 : vector<400x128xi1>, vector<400x128xi32>
    %eq3A_97 = vector.broadcast %broadcast_in_dim3A_88 : vector<400x1xi32> to vector<400x2000xi32>
    %eq3A_98 = arith.cmpi eq, %iota3A, %eq3A_97 : vector<400x2000xi32>
    %jit3A_99 = arith.constant 0x7F800000 : f32
    %broadcast_in_dim3A_100 = vector.broadcast %jit3A_99 : f32 to vector<400x2000xf32>
    %select_n3A_101 = arith.select %eq3A_98, %broadcast_in_dim3A_100, %select_n3A_77 : vector<400x2000xi1>, vector<400x2000xf32>
    %reduce_min3A_102 = arith.constant dense<0x7F800000> : vector<400xf32>
    %reduce_min3A_103 = vector.multi_reduction <minimumf>, %select_n3A_101, %reduce_min3A_102 [1] : vector<400x2000xf32> to vector<400xf32>
    %broadcast_in_dim3A_104 = vector.shape_cast %reduce_min3A_103 : vector<400xf32> to vector<400x1xf32>
    %eq3A_105 = vector.broadcast %broadcast_in_dim3A_104 : vector<400x1xf32> to vector<400x2000xf32>
    %eq3A_106 = arith.cmpf oeq, %select_n3A_101, %eq3A_105 : vector<400x2000xf32>
    %jit3A_107 = arith.constant 2000 : i32
    %broadcast_in_dim3A_108 = vector.broadcast %jit3A_107 : i32 to vector<400x2000xi32>
    %select_n3A_109 = arith.select %eq3A_106, %iota3A, %broadcast_in_dim3A_108 : vector<400x2000xi1>, vector<400x2000xi32>
    %reduce_min3A_110 = arith.constant dense<2147483647> : vector<400xi32>
    %reduce_min3A_111 = vector.multi_reduction <minsi>, %select_n3A_109, %reduce_min3A_110 [1] : vector<400x2000xi32> to vector<400xi32>
    %broadcast_in_dim3A_112 = vector.shape_cast %reduce_min3A_111 : vector<400xi32> to vector<400x1xi32>
    %eq3A_113 = arith.constant 3 : i32
    %eq3A_114 = vector.broadcast %eq3A_113 : i32 to vector<400x128xi32>
    %eq3A_115 = arith.cmpi eq, %iota3A_29, %eq3A_114 : vector<400x128xi32>
    %add3A_116 = vector.broadcast %mul3A_33 : i32 to vector<400x1xi32>
    %add3A_117 = arith.addi %broadcast_in_dim3A_112, %add3A_116 : vector<400x1xi32>
    %broadcast_in_dim3A_118 = vector.shape_cast %add3A_117 : vector<400x1xi32> to vector<400x1xi32>
    %broadcast_in_dim3A_119 = vector.broadcast %broadcast_in_dim3A_118 : vector<400x1xi32> to vector<400x128xi32>
    %select_n3A_120 = arith.select %eq3A_115, %broadcast_in_dim3A_119, %select_n3A_96 : vector<400x128xi1>, vector<400x128xi32>
    %eq3A_121 = vector.broadcast %broadcast_in_dim3A_112 : vector<400x1xi32> to vector<400x2000xi32>
    %eq3A_122 = arith.cmpi eq, %iota3A, %eq3A_121 : vector<400x2000xi32>
    %jit3A_123 = arith.constant 0x7F800000 : f32
    %broadcast_in_dim3A_124 = vector.broadcast %jit3A_123 : f32 to vector<400x2000xf32>
    %select_n3A_125 = arith.select %eq3A_122, %broadcast_in_dim3A_124, %select_n3A_101 : vector<400x2000xi1>, vector<400x2000xf32>
    %reduce_min3A_126 = arith.constant dense<0x7F800000> : vector<400xf32>
    %reduce_min3A_127 = vector.multi_reduction <minimumf>, %select_n3A_125, %reduce_min3A_126 [1] : vector<400x2000xf32> to vector<400xf32>
    %broadcast_in_dim3A_128 = vector.shape_cast %reduce_min3A_127 : vector<400xf32> to vector<400x1xf32>
    %eq3A_129 = vector.broadcast %broadcast_in_dim3A_128 : vector<400x1xf32> to vector<400x2000xf32>
    %eq3A_130 = arith.cmpf oeq, %select_n3A_125, %eq3A_129 : vector<400x2000xf32>
    %jit3A_131 = arith.constant 2000 : i32
    %broadcast_in_dim3A_132 = vector.broadcast %jit3A_131 : i32 to vector<400x2000xi32>
    %select_n3A_133 = arith.select %eq3A_130, %iota3A, %broadcast_in_dim3A_132 : vector<400x2000xi1>, vector<400x2000xi32>
    %reduce_min3A_134 = arith.constant dense<2147483647> : vector<400xi32>
    %reduce_min3A_135 = vector.multi_reduction <minsi>, %select_n3A_133, %reduce_min3A_134 [1] : vector<400x2000xi32> to vector<400xi32>
    %broadcast_in_dim3A_136 = vector.shape_cast %reduce_min3A_135 : vector<400xi32> to vector<400x1xi32>
    %eq3A_137 = arith.constant 4 : i32
    %eq3A_138 = vector.broadcast %eq3A_137 : i32 to vector<400x128xi32>
    %eq3A_139 = arith.cmpi eq, %iota3A_29, %eq3A_138 : vector<400x128xi32>
    %add3A_140 = vector.broadcast %mul3A_33 : i32 to vector<400x1xi32>
    %add3A_141 = arith.addi %broadcast_in_dim3A_136, %add3A_140 : vector<400x1xi32>
    %broadcast_in_dim3A_142 = vector.shape_cast %add3A_141 : vector<400x1xi32> to vector<400x1xi32>
    %broadcast_in_dim3A_143 = vector.broadcast %broadcast_in_dim3A_142 : vector<400x1xi32> to vector<400x128xi32>
    %select_n3A_144 = arith.select %eq3A_139, %broadcast_in_dim3A_143, %select_n3A_120 : vector<400x128xi1>, vector<400x128xi32>
    %eq3A_145 = vector.broadcast %broadcast_in_dim3A_136 : vector<400x1xi32> to vector<400x2000xi32>
    %eq3A_146 = arith.cmpi eq, %iota3A, %eq3A_145 : vector<400x2000xi32>
    %jit3A_147 = arith.constant 0x7F800000 : f32
    %broadcast_in_dim3A_148 = vector.broadcast %jit3A_147 : f32 to vector<400x2000xf32>
    %select_n3A_149 = arith.select %eq3A_146, %broadcast_in_dim3A_148, %select_n3A_125 : vector<400x2000xi1>, vector<400x2000xf32>
    %reduce_min3A_150 = arith.constant dense<0x7F800000> : vector<400xf32>
    %reduce_min3A_151 = vector.multi_reduction <minimumf>, %select_n3A_149, %reduce_min3A_150 [1] : vector<400x2000xf32> to vector<400xf32>
    %broadcast_in_dim3A_152 = vector.shape_cast %reduce_min3A_151 : vector<400xf32> to vector<400x1xf32>
    %eq3A_153 = vector.broadcast %broadcast_in_dim3A_152 : vector<400x1xf32> to vector<400x2000xf32>
    %eq3A_154 = arith.cmpf oeq, %select_n3A_149, %eq3A_153 : vector<400x2000xf32>
    %jit3A_155 = arith.constant 2000 : i32
    %broadcast_in_dim3A_156 = vector.broadcast %jit3A_155 : i32 to vector<400x2000xi32>
    %select_n3A_157 = arith.select %eq3A_154, %iota3A, %broadcast_in_dim3A_156 : vector<400x2000xi1>, vector<400x2000xi32>
    %reduce_min3A_158 = arith.constant dense<2147483647> : vector<400xi32>
    %reduce_min3A_159 = vector.multi_reduction <minsi>, %select_n3A_157, %reduce_min3A_158 [1] : vector<400x2000xi32> to vector<400xi32>
    %broadcast_in_dim3A_160 = vector.shape_cast %reduce_min3A_159 : vector<400xi32> to vector<400x1xi32>
    %eq3A_161 = arith.constant 5 : i32
    %eq3A_162 = vector.broadcast %eq3A_161 : i32 to vector<400x128xi32>
    %eq3A_163 = arith.cmpi eq, %iota3A_29, %eq3A_162 : vector<400x128xi32>
    %add3A_164 = vector.broadcast %mul3A_33 : i32 to vector<400x1xi32>
    %add3A_165 = arith.addi %broadcast_in_dim3A_160, %add3A_164 : vector<400x1xi32>
    %broadcast_in_dim3A_166 = vector.shape_cast %add3A_165 : vector<400x1xi32> to vector<400x1xi32>
    %broadcast_in_dim3A_167 = vector.broadcast %broadcast_in_dim3A_166 : vector<400x1xi32> to vector<400x128xi32>
    %select_n3A_168 = arith.select %eq3A_163, %broadcast_in_dim3A_167, %select_n3A_144 : vector<400x128xi1>, vector<400x128xi32>
    %eq3A_169 = vector.broadcast %broadcast_in_dim3A_160 : vector<400x1xi32> to vector<400x2000xi32>
    %eq3A_170 = arith.cmpi eq, %iota3A, %eq3A_169 : vector<400x2000xi32>
    %jit3A_171 = arith.constant 0x7F800000 : f32
    %broadcast_in_dim3A_172 = vector.broadcast %jit3A_171 : f32 to vector<400x2000xf32>
    %select_n3A_173 = arith.select %eq3A_170, %broadcast_in_dim3A_172, %select_n3A_149 : vector<400x2000xi1>, vector<400x2000xf32>
    %reduce_min3A_174 = arith.constant dense<0x7F800000> : vector<400xf32>
    %reduce_min3A_175 = vector.multi_reduction <minimumf>, %select_n3A_173, %reduce_min3A_174 [1] : vector<400x2000xf32> to vector<400xf32>
    %broadcast_in_dim3A_176 = vector.shape_cast %reduce_min3A_175 : vector<400xf32> to vector<400x1xf32>
    %eq3A_177 = vector.broadcast %broadcast_in_dim3A_176 : vector<400x1xf32> to vector<400x2000xf32>
    %eq3A_178 = arith.cmpf oeq, %select_n3A_173, %eq3A_177 : vector<400x2000xf32>
    %jit3A_179 = arith.constant 2000 : i32
    %broadcast_in_dim3A_180 = vector.broadcast %jit3A_179 : i32 to vector<400x2000xi32>
    %select_n3A_181 = arith.select %eq3A_178, %iota3A, %broadcast_in_dim3A_180 : vector<400x2000xi1>, vector<400x2000xi32>
    %reduce_min3A_182 = arith.constant dense<2147483647> : vector<400xi32>
    %reduce_min3A_183 = vector.multi_reduction <minsi>, %select_n3A_181, %reduce_min3A_182 [1] : vector<400x2000xi32> to vector<400xi32>
    %broadcast_in_dim3A_184 = vector.shape_cast %reduce_min3A_183 : vector<400xi32> to vector<400x1xi32>
    %eq3A_185 = arith.constant 6 : i32
    %eq3A_186 = vector.broadcast %eq3A_185 : i32 to vector<400x128xi32>
    %eq3A_187 = arith.cmpi eq, %iota3A_29, %eq3A_186 : vector<400x128xi32>
    %add3A_188 = vector.broadcast %mul3A_33 : i32 to vector<400x1xi32>
    %add3A_189 = arith.addi %broadcast_in_dim3A_184, %add3A_188 : vector<400x1xi32>
    %broadcast_in_dim3A_190 = vector.shape_cast %add3A_189 : vector<400x1xi32> to vector<400x1xi32>
    %broadcast_in_dim3A_191 = vector.broadcast %broadcast_in_dim3A_190 : vector<400x1xi32> to vector<400x128xi32>
    %select_n3A_192 = arith.select %eq3A_187, %broadcast_in_dim3A_191, %select_n3A_168 : vector<400x128xi1>, vector<400x128xi32>
    %eq3A_193 = vector.broadcast %broadcast_in_dim3A_184 : vector<400x1xi32> to vector<400x2000xi32>
    %eq3A_194 = arith.cmpi eq, %iota3A, %eq3A_193 : vector<400x2000xi32>
    %jit3A_195 = arith.constant 0x7F800000 : f32
    %broadcast_in_dim3A_196 = vector.broadcast %jit3A_195 : f32 to vector<400x2000xf32>
    %select_n3A_197 = arith.select %eq3A_194, %broadcast_in_dim3A_196, %select_n3A_173 : vector<400x2000xi1>, vector<400x2000xf32>
    %reduce_min3A_198 = arith.constant dense<0x7F800000> : vector<400xf32>
    %reduce_min3A_199 = vector.multi_reduction <minimumf>, %select_n3A_197, %reduce_min3A_198 [1] : vector<400x2000xf32> to vector<400xf32>
    %broadcast_in_dim3A_200 = vector.shape_cast %reduce_min3A_199 : vector<400xf32> to vector<400x1xf32>
    %eq3A_201 = vector.broadcast %broadcast_in_dim3A_200 : vector<400x1xf32> to vector<400x2000xf32>
    %eq3A_202 = arith.cmpf oeq, %select_n3A_197, %eq3A_201 : vector<400x2000xf32>
    %jit3A_203 = arith.constant 2000 : i32
    %broadcast_in_dim3A_204 = vector.broadcast %jit3A_203 : i32 to vector<400x2000xi32>
    %select_n3A_205 = arith.select %eq3A_202, %iota3A, %broadcast_in_dim3A_204 : vector<400x2000xi1>, vector<400x2000xi32>
    %reduce_min3A_206 = arith.constant dense<2147483647> : vector<400xi32>
    %reduce_min3A_207 = vector.multi_reduction <minsi>, %select_n3A_205, %reduce_min3A_206 [1] : vector<400x2000xi32> to vector<400xi32>
    %broadcast_in_dim3A_208 = vector.shape_cast %reduce_min3A_207 : vector<400xi32> to vector<400x1xi32>
    %eq3A_209 = arith.constant 7 : i32
    %eq3A_210 = vector.broadcast %eq3A_209 : i32 to vector<400x128xi32>
    %eq3A_211 = arith.cmpi eq, %iota3A_29, %eq3A_210 : vector<400x128xi32>
    %add3A_212 = vector.broadcast %mul3A_33 : i32 to vector<400x1xi32>
    %add3A_213 = arith.addi %broadcast_in_dim3A_208, %add3A_212 : vector<400x1xi32>
    %broadcast_in_dim3A_214 = vector.shape_cast %add3A_213 : vector<400x1xi32> to vector<400x1xi32>
    %broadcast_in_dim3A_215 = vector.broadcast %broadcast_in_dim3A_214 : vector<400x1xi32> to vector<400x128xi32>
    %select_n3A_216 = arith.select %eq3A_211, %broadcast_in_dim3A_215, %select_n3A_192 : vector<400x128xi1>, vector<400x128xi32>
    %eq3A_217 = vector.broadcast %broadcast_in_dim3A_208 : vector<400x1xi32> to vector<400x2000xi32>
    %eq3A_218 = arith.cmpi eq, %iota3A, %eq3A_217 : vector<400x2000xi32>
    %jit3A_219 = arith.constant 0x7F800000 : f32
    %broadcast_in_dim3A_220 = vector.broadcast %jit3A_219 : f32 to vector<400x2000xf32>
    %select_n3A_221 = arith.select %eq3A_218, %broadcast_in_dim3A_220, %select_n3A_197 : vector<400x2000xi1>, vector<400x2000xf32>
    %reduce_min3A_222 = arith.constant dense<0x7F800000> : vector<400xf32>
    %reduce_min3A_223 = vector.multi_reduction <minimumf>, %select_n3A_221, %reduce_min3A_222 [1] : vector<400x2000xf32> to vector<400xf32>
    %broadcast_in_dim3A_224 = vector.shape_cast %reduce_min3A_223 : vector<400xf32> to vector<400x1xf32>
    %eq3A_225 = vector.broadcast %broadcast_in_dim3A_224 : vector<400x1xf32> to vector<400x2000xf32>
    %eq3A_226 = arith.cmpf oeq, %select_n3A_221, %eq3A_225 : vector<400x2000xf32>
    %jit3A_227 = arith.constant 2000 : i32
    %broadcast_in_dim3A_228 = vector.broadcast %jit3A_227 : i32 to vector<400x2000xi32>
    %select_n3A_229 = arith.select %eq3A_226, %iota3A, %broadcast_in_dim3A_228 : vector<400x2000xi1>, vector<400x2000xi32>
    %reduce_min3A_230 = arith.constant dense<2147483647> : vector<400xi32>
    %reduce_min3A_231 = vector.multi_reduction <minsi>, %select_n3A_229, %reduce_min3A_230 [1] : vector<400x2000xi32> to vector<400xi32>
    %broadcast_in_dim3A_232 = vector.shape_cast %reduce_min3A_231 : vector<400xi32> to vector<400x1xi32>
    %eq3A_233 = arith.constant 8 : i32
    %eq3A_234 = vector.broadcast %eq3A_233 : i32 to vector<400x128xi32>
    %eq3A_235 = arith.cmpi eq, %iota3A_29, %eq3A_234 : vector<400x128xi32>
    %add3A_236 = vector.broadcast %mul3A_33 : i32 to vector<400x1xi32>
    %add3A_237 = arith.addi %broadcast_in_dim3A_232, %add3A_236 : vector<400x1xi32>
    %broadcast_in_dim3A_238 = vector.shape_cast %add3A_237 : vector<400x1xi32> to vector<400x1xi32>
    %broadcast_in_dim3A_239 = vector.broadcast %broadcast_in_dim3A_238 : vector<400x1xi32> to vector<400x128xi32>
    %select_n3A_240 = arith.select %eq3A_235, %broadcast_in_dim3A_239, %select_n3A_216 : vector<400x128xi1>, vector<400x128xi32>
    %swap3A = arith.constant 0 : index
    %swap3A_241 = arith.constant 0 : index
    %swap3A_242 = arith.constant 0 : index
    %swap3A_243 = vector.load %arg5[%swap3A, %swap3A_241, %swap3A_242] : memref<1x400x128xi32, #tpu.memory_space<vmem>>, vector<1x400x128xi32>
    %swap3A_244 = vector.shape_cast %swap3A_243 : vector<1x400x128xi32> to vector<400x128xi32>
    %swap3A_245 = vector.shape_cast %select_n3A_240 : vector<400x128xi32> to vector<1x400x128xi32>
    tpu.vector_store %arg5[%swap3A, %swap3A_241, %swap3A_242], %swap3A_245 {strides = array<i32>} : memref<1x400x128xi32, #tpu.memory_space<vmem>>, vector<1x400x128xi32>,
    return
  }
  func.func @transform_0(%arg0: i32, %arg1: i32) -> (i32, i32) {
    %c0_i32 = arith.constant 0 : i32
    %c0_i32_0 = arith.constant 0 : i32
    %c0_i32_1 = arith.constant 0 : i32
    return %c0_i32, %c0_i32_0 : i32, i32
  }
  func.func @transform_1(%arg0: i32, %arg1: i32) -> (i32, i32, i32) {
    %c0_i32 = arith.constant 0 : i32
    %c0_i32_0 = arith.constant 0 : i32
    %c0_i32_1 = arith.constant 0 : i32
    return %arg0, %c0_i32, %c0_i32_0 : i32, i32, i32
  }
  func.func @transform_2(%arg0: i32, %arg1: i32) -> (i32, i32, i32) {
    %c0_i32 = arith.constant 0 : i32
    %c0_i32_0 = arith.constant 0 : i32
    return %arg0, %arg1, %c0_i32 : i32, i32, i32
  }
  func.func @transform_3(%arg0: i32, %arg1: i32) -> (i32, i32, i32) {
    %c0_i32 = arith.constant 0 : i32
    %c0_i32_0 = arith.constant 0 : i32
    return %arg0, %arg1, %c0_i32 : i32, i32, i32
  }
}

module attributes {stable_mosaic.version = 14 : i64} {
  func.func @_k3_body(%arg0: i32, %arg1: memref<400x128xf32, #tpu.memory_space<vmem>>, %arg2: memref<9x400x128xf32, #tpu.memory_space<vmem>>, %arg3: memref<128x128xf32, #tpu.memory_space<vmem>>, %arg4: memref<128x384xf32, #tpu.memory_space<vmem>>, %arg5: memref<1x384xf32, #tpu.memory_space<vmem>>, %arg6: memref<400x384xf32, #tpu.memory_space<vmem>>, %arg7: memref<2x128xf32, #tpu.memory_space<vmem>>) attributes {dimension_semantics = [#tpu.dimension_semantics<arbitrary>], iteration_bounds = array<i64: 40>, scalar_prefetch = 0 : i64, scratch_operands = 0 : i64, tpu.core_type = #tpu.core_type<tc>, window_params = [{transform_indices = @transform_0, window_bounds = array<i64: 400, 128>}, {transform_indices = @transform_1, window_bounds = array<i64: 9, 400, 128>}, {pipeline_mode = #tpu.pipeline_mode<synchronous>, transform_indices = @transform_2, window_bounds = array<i64: 128, 128>}, {pipeline_mode = #tpu.pipeline_mode<synchronous>, transform_indices = @transform_3, window_bounds = array<i64: 128, 384>}, {pipeline_mode = #tpu.pipeline_mode<synchronous>, transform_indices = @transform_4, window_bounds = array<i64: 1, 384>}, {transform_indices = @transform_5, window_bounds = array<i64: 400, 384>}, {pipeline_mode = #tpu.pipeline_mode<synchronous>, transform_indices = @transform_6, window_bounds = array<i64: 2, 128>}]} {
    %eq3A = arith.constant 0 : i32
    %eq3A_0 = arith.cmpi eq, %arg0, %eq3A : i32
    %convert_element_type3A = arith.extui %eq3A_0 : i1 to i32
    %cond3A = arith.constant 0 : i32
    %cond3A_1 = arith.cmpi ne, %convert_element_type3A, %cond3A : i32
    scf.if %cond3A_1 {
      %broadcast_in_dim3A_170 = arith.constant 0.000000e+00 : f32
      %broadcast_in_dim3A_171 = vector.broadcast %broadcast_in_dim3A_170 : f32 to vector<2x128xf32>
      %swap3A_172 = arith.constant 0 : index
      %swap3A_173 = arith.constant 0 : index
      %swap3A_174 = vector.load %arg7[%swap3A_172, %swap3A_173] : memref<2x128xf32, #tpu.memory_space<vmem>>, vector<2x128xf32>
      tpu.vector_store %arg7[%swap3A_172, %swap3A_173], %broadcast_in_dim3A_171 {strides = array<i32>} : memref<2x128xf32, #tpu.memory_space<vmem>>, vector<2x128xf32>,
    } else {
    }
    %get3A = arith.constant 0 : index
    %get3A_2 = arith.constant 0 : index
    %get3A_3 = vector.load %arg1[%get3A, %get3A_2] : memref<400x128xf32, #tpu.memory_space<vmem>>, vector<400x128xf32>
    %get3A_4 = arith.constant 0 : index
    %get3A_5 = arith.constant 0 : index
    %get3A_6 = vector.load %arg3[%get3A_4, %get3A_5] : memref<128x128xf32, #tpu.memory_space<vmem>>, vector<128x128xf32>
    %dot_general3A = arith.constant dense<0.000000e+00> : vector<400x128xf32>
    %dot_general3A_7 = tpu.matmul %get3A_3, %get3A_6, %dot_general3A {dimension_numbers = #tpu.dot_dimension_numbers<[1], [0], [0], [1], [0, 0, 1, 1], [], []>, transpose_lhs_hint = false} : vector<400x128xf32>, vector<128x128xf32>, vector<400x128xf32> -> vector<400x128xf32>
    %broadcast_in_dim3A = arith.constant 0.000000e+00 : f32
    %broadcast_in_dim3A_8 = vector.broadcast %broadcast_in_dim3A : f32 to vector<1x128xf32>
    %broadcast_in_dim3A_9 = arith.constant 0.000000e+00 : f32
    %broadcast_in_dim3A_10 = vector.broadcast %broadcast_in_dim3A_9 : f32 to vector<1x128xf32>
    %get3A_11 = arith.constant 0 : index
    %get3A_12 = arith.constant 0 : index
    %get3A_13 = arith.constant 0 : index
    %get3A_14 = vector.load %arg2[%get3A_11, %get3A_12, %get3A_13] : memref<9x400x128xf32, #tpu.memory_space<vmem>>, vector<1x400x128xf32>
    %get3A_15 = vector.shape_cast %get3A_14 : vector<1x400x128xf32> to vector<400x128xf32>
    %get3A_16 = arith.constant 0 : index
    %get3A_17 = arith.constant 0 : index
    %get3A_18 = vector.load %arg4[%get3A_16, %get3A_17] : memref<128x384xf32, #tpu.memory_space<vmem>>, vector<128x128xf32>
    %dot_general3A_19 = arith.constant dense<0.000000e+00> : vector<400x128xf32>
    %dot_general3A_20 = tpu.matmul %get3A_15, %get3A_18, %dot_general3A_19 {dimension_numbers = #tpu.dot_dimension_numbers<[1], [0], [0], [1], [0, 0, 1, 1], [], []>, transpose_lhs_hint = false} : vector<400x128xf32>, vector<128x128xf32>, vector<400x128xf32> -> vector<400x128xf32>
    %sub3A = arith.subf %dot_general3A_7, %dot_general3A_20 : vector<400x128xf32>
    %get3A_21 = arith.constant 1 : index
    %get3A_22 = arith.constant 0 : index
    %get3A_23 = arith.constant 0 : index
    %get3A_24 = vector.load %arg2[%get3A_21, %get3A_22, %get3A_23] : memref<9x400x128xf32, #tpu.memory_space<vmem>>, vector<1x400x128xf32>
    %get3A_25 = vector.shape_cast %get3A_24 : vector<1x400x128xf32> to vector<400x128xf32>
    %get3A_26 = arith.constant 0 : index
    %get3A_27 = arith.constant 128 : index
    %get3A_28 = vector.load %arg4[%get3A_26, %get3A_27] : memref<128x384xf32, #tpu.memory_space<vmem>>, vector<128x128xf32>
    %dot_general3A_29 = arith.constant dense<0.000000e+00> : vector<400x128xf32>
    %dot_general3A_30 = tpu.matmul %get3A_25, %get3A_28, %dot_general3A_29 {dimension_numbers = #tpu.dot_dimension_numbers<[1], [0], [0], [1], [0, 0, 1, 1], [], []>, transpose_lhs_hint = false} : vector<400x128xf32>, vector<128x128xf32>, vector<400x128xf32> -> vector<400x128xf32>
    %sub3A_31 = arith.subf %sub3A, %dot_general3A_30 : vector<400x128xf32>
    %get3A_32 = arith.constant 2 : index
    %get3A_33 = arith.constant 0 : index
    %get3A_34 = arith.constant 0 : index
    %get3A_35 = vector.load %arg2[%get3A_32, %get3A_33, %get3A_34] : memref<9x400x128xf32, #tpu.memory_space<vmem>>, vector<1x400x128xf32>
    %get3A_36 = vector.shape_cast %get3A_35 : vector<1x400x128xf32> to vector<400x128xf32>
    %get3A_37 = arith.constant 0 : index
    %get3A_38 = arith.constant 256 : index
    %get3A_39 = vector.load %arg4[%get3A_37, %get3A_38] : memref<128x384xf32, #tpu.memory_space<vmem>>, vector<128x128xf32>
    %dot_general3A_40 = arith.constant dense<0.000000e+00> : vector<400x128xf32>
    %dot_general3A_41 = tpu.matmul %get3A_36, %get3A_39, %dot_general3A_40 {dimension_numbers = #tpu.dot_dimension_numbers<[1], [0], [0], [1], [0, 0, 1, 1], [], []>, transpose_lhs_hint = false} : vector<400x128xf32>, vector<128x128xf32>, vector<400x128xf32> -> vector<400x128xf32>
    %sub3A_42 = arith.subf %sub3A_31, %dot_general3A_41 : vector<400x128xf32>
    %get3A_43 = arith.constant 0 : index
    %get3A_44 = arith.constant 0 : index
    %get3A_45 = vector.load %arg5[%get3A_43, %get3A_44] : memref<1x384xf32, #tpu.memory_space<vmem>>, vector<1x128xf32>
    %get3A_46 = vector.shape_cast %get3A_45 : vector<1x128xf32> to vector<128xf32>
    %broadcast_in_dim3A_47 = vector.shape_cast %get3A_46 : vector<128xf32> to vector<1x128xf32>
    %add3A = vector.broadcast %broadcast_in_dim3A_47 : vector<1x128xf32> to vector<400x128xf32>
    %add3A_48 = arith.addf %sub3A_42, %add3A : vector<400x128xf32>
    %reduce_sum3A = arith.constant dense<0.000000e+00> : vector<128xf32>
    %reduce_sum3A_49 = vector.multi_reduction <add>, %add3A_48, %reduce_sum3A [0] : vector<400x128xf32> to vector<128xf32>
    %broadcast_in_dim3A_50 = vector.shape_cast %reduce_sum3A_49 : vector<128xf32> to vector<1x128xf32>
    %add3A_51 = arith.addf %broadcast_in_dim3A_8, %broadcast_in_dim3A_50 : vector<1x128xf32>
    %mul3A = arith.mulf %add3A_48, %add3A_48 : vector<400x128xf32>
    %reduce_sum3A_52 = arith.constant dense<0.000000e+00> : vector<128xf32>
    %reduce_sum3A_53 = vector.multi_reduction <add>, %mul3A, %reduce_sum3A_52 [0] : vector<400x128xf32> to vector<128xf32>
    %broadcast_in_dim3A_54 = vector.shape_cast %reduce_sum3A_53 : vector<128xf32> to vector<1x128xf32>
    %add3A_55 = arith.addf %broadcast_in_dim3A_10, %broadcast_in_dim3A_54 : vector<1x128xf32>
    %get3A_56 = arith.constant 3 : index
    %get3A_57 = arith.constant 0 : index
    %get3A_58 = arith.constant 0 : index
    %get3A_59 = vector.load %arg2[%get3A_56, %get3A_57, %get3A_58] : memref<9x400x128xf32, #tpu.memory_space<vmem>>, vector<1x400x128xf32>
    %get3A_60 = vector.shape_cast %get3A_59 : vector<1x400x128xf32> to vector<400x128xf32>
    %get3A_61 = arith.constant 0 : index
    %get3A_62 = arith.constant 0 : index
    %get3A_63 = vector.load %arg4[%get3A_61, %get3A_62] : memref<128x384xf32, #tpu.memory_space<vmem>>, vector<128x128xf32>
    %dot_general3A_64 = arith.constant dense<0.000000e+00> : vector<400x128xf32>
    %dot_general3A_65 = tpu.matmul %get3A_60, %get3A_63, %dot_general3A_64 {dimension_numbers = #tpu.dot_dimension_numbers<[1], [0], [0], [1], [0, 0, 1, 1], [], []>, transpose_lhs_hint = false} : vector<400x128xf32>, vector<128x128xf32>, vector<400x128xf32> -> vector<400x128xf32>
    %sub3A_66 = arith.subf %dot_general3A_7, %dot_general3A_65 : vector<400x128xf32>
    %get3A_67 = arith.constant 4 : index
    %get3A_68 = arith.constant 0 : index
    %get3A_69 = arith.constant 0 : index
    %get3A_70 = vector.load %arg2[%get3A_67, %get3A_68, %get3A_69] : memref<9x400x128xf32, #tpu.memory_space<vmem>>, vector<1x400x128xf32>
    %get3A_71 = vector.shape_cast %get3A_70 : vector<1x400x128xf32> to vector<400x128xf32>
    %get3A_72 = arith.constant 0 : index
    %get3A_73 = arith.constant 128 : index
    %get3A_74 = vector.load %arg4[%get3A_72, %get3A_73] : memref<128x384xf32, #tpu.memory_space<vmem>>, vector<128x128xf32>
    %dot_general3A_75 = arith.constant dense<0.000000e+00> : vector<400x128xf32>
    %dot_general3A_76 = tpu.matmul %get3A_71, %get3A_74, %dot_general3A_75 {dimension_numbers = #tpu.dot_dimension_numbers<[1], [0], [0], [1], [0, 0, 1, 1], [], []>, transpose_lhs_hint = false} : vector<400x128xf32>, vector<128x128xf32>, vector<400x128xf32> -> vector<400x128xf32>
    %sub3A_77 = arith.subf %sub3A_66, %dot_general3A_76 : vector<400x128xf32>
    %get3A_78 = arith.constant 5 : index
    %get3A_79 = arith.constant 0 : index
    %get3A_80 = arith.constant 0 : index
    %get3A_81 = vector.load %arg2[%get3A_78, %get3A_79, %get3A_80] : memref<9x400x128xf32, #tpu.memory_space<vmem>>, vector<1x400x128xf32>
    %get3A_82 = vector.shape_cast %get3A_81 : vector<1x400x128xf32> to vector<400x128xf32>
    %get3A_83 = arith.constant 0 : index
    %get3A_84 = arith.constant 256 : index
    %get3A_85 = vector.load %arg4[%get3A_83, %get3A_84] : memref<128x384xf32, #tpu.memory_space<vmem>>, vector<128x128xf32>
    %dot_general3A_86 = arith.constant dense<0.000000e+00> : vector<400x128xf32>
    %dot_general3A_87 = tpu.matmul %get3A_82, %get3A_85, %dot_general3A_86 {dimension_numbers = #tpu.dot_dimension_numbers<[1], [0], [0], [1], [0, 0, 1, 1], [], []>, transpose_lhs_hint = false} : vector<400x128xf32>, vector<128x128xf32>, vector<400x128xf32> -> vector<400x128xf32>
    %sub3A_88 = arith.subf %sub3A_77, %dot_general3A_87 : vector<400x128xf32>
    %get3A_89 = arith.constant 0 : index
    %get3A_90 = arith.constant 128 : index
    %get3A_91 = vector.load %arg5[%get3A_89, %get3A_90] : memref<1x384xf32, #tpu.memory_space<vmem>>, vector<1x128xf32>
    %get3A_92 = vector.shape_cast %get3A_91 : vector<1x128xf32> to vector<128xf32>
    %broadcast_in_dim3A_93 = vector.shape_cast %get3A_92 : vector<128xf32> to vector<1x128xf32>
    %add3A_94 = vector.broadcast %broadcast_in_dim3A_93 : vector<1x128xf32> to vector<400x128xf32>
    %add3A_95 = arith.addf %sub3A_88, %add3A_94 : vector<400x128xf32>
    %reduce_sum3A_96 = arith.constant dense<0.000000e+00> : vector<128xf32>
    %reduce_sum3A_97 = vector.multi_reduction <add>, %add3A_95, %reduce_sum3A_96 [0] : vector<400x128xf32> to vector<128xf32>
    %broadcast_in_dim3A_98 = vector.shape_cast %reduce_sum3A_97 : vector<128xf32> to vector<1x128xf32>
    %add3A_99 = arith.addf %add3A_51, %broadcast_in_dim3A_98 : vector<1x128xf32>
    %mul3A_100 = arith.mulf %add3A_95, %add3A_95 : vector<400x128xf32>
    %reduce_sum3A_101 = arith.constant dense<0.000000e+00> : vector<128xf32>
    %reduce_sum3A_102 = vector.multi_reduction <add>, %mul3A_100, %reduce_sum3A_101 [0] : vector<400x128xf32> to vector<128xf32>
    %broadcast_in_dim3A_103 = vector.shape_cast %reduce_sum3A_102 : vector<128xf32> to vector<1x128xf32>
    %add3A_104 = arith.addf %add3A_55, %broadcast_in_dim3A_103 : vector<1x128xf32>
    %get3A_105 = arith.constant 6 : index
    %get3A_106 = arith.constant 0 : index
    %get3A_107 = arith.constant 0 : index
    %get3A_108 = vector.load %arg2[%get3A_105, %get3A_106, %get3A_107] : memref<9x400x128xf32, #tpu.memory_space<vmem>>, vector<1x400x128xf32>
    %get3A_109 = vector.shape_cast %get3A_108 : vector<1x400x128xf32> to vector<400x128xf32>
    %get3A_110 = arith.constant 0 : index
    %get3A_111 = arith.constant 0 : index
    %get3A_112 = vector.load %arg4[%get3A_110, %get3A_111] : memref<128x384xf32, #tpu.memory_space<vmem>>, vector<128x128xf32>
    %dot_general3A_113 = arith.constant dense<0.000000e+00> : vector<400x128xf32>
    %dot_general3A_114 = tpu.matmul %get3A_109, %get3A_112, %dot_general3A_113 {dimension_numbers = #tpu.dot_dimension_numbers<[1], [0], [0], [1], [0, 0, 1, 1], [], []>, transpose_lhs_hint = false} : vector<400x128xf32>, vector<128x128xf32>, vector<400x128xf32> -> vector<400x128xf32>
    %sub3A_115 = arith.subf %dot_general3A_7, %dot_general3A_114 : vector<400x128xf32>
    %get3A_116 = arith.constant 7 : index
    %get3A_117 = arith.constant 0 : index
    %get3A_118 = arith.constant 0 : index
    %get3A_119 = vector.load %arg2[%get3A_116, %get3A_117, %get3A_118] : memref<9x400x128xf32, #tpu.memory_space<vmem>>, vector<1x400x128xf32>
    %get3A_120 = vector.shape_cast %get3A_119 : vector<1x400x128xf32> to vector<400x128xf32>
    %get3A_121 = arith.constant 0 : index
    %get3A_122 = arith.constant 128 : index
    %get3A_123 = vector.load %arg4[%get3A_121, %get3A_122] : memref<128x384xf32, #tpu.memory_space<vmem>>, vector<128x128xf32>
    %dot_general3A_124 = arith.constant dense<0.000000e+00> : vector<400x128xf32>
    %dot_general3A_125 = tpu.matmul %get3A_120, %get3A_123, %dot_general3A_124 {dimension_numbers = #tpu.dot_dimension_numbers<[1], [0], [0], [1], [0, 0, 1, 1], [], []>, transpose_lhs_hint = false} : vector<400x128xf32>, vector<128x128xf32>, vector<400x128xf32> -> vector<400x128xf32>
    %sub3A_126 = arith.subf %sub3A_115, %dot_general3A_125 : vector<400x128xf32>
    %get3A_127 = arith.constant 8 : index
    %get3A_128 = arith.constant 0 : index
    %get3A_129 = arith.constant 0 : index
    %get3A_130 = vector.load %arg2[%get3A_127, %get3A_128, %get3A_129] : memref<9x400x128xf32, #tpu.memory_space<vmem>>, vector<1x400x128xf32>
    %get3A_131 = vector.shape_cast %get3A_130 : vector<1x400x128xf32> to vector<400x128xf32>
    %get3A_132 = arith.constant 0 : index
    %get3A_133 = arith.constant 256 : index
    %get3A_134 = vector.load %arg4[%get3A_132, %get3A_133] : memref<128x384xf32, #tpu.memory_space<vmem>>, vector<128x128xf32>
    %dot_general3A_135 = arith.constant dense<0.000000e+00> : vector<400x128xf32>
    %dot_general3A_136 = tpu.matmul %get3A_131, %get3A_134, %dot_general3A_135 {dimension_numbers = #tpu.dot_dimension_numbers<[1], [0], [0], [1], [0, 0, 1, 1], [], []>, transpose_lhs_hint = false} : vector<400x128xf32>, vector<128x128xf32>, vector<400x128xf32> -> vector<400x128xf32>
    %sub3A_137 = arith.subf %sub3A_126, %dot_general3A_136 : vector<400x128xf32>
    %get3A_138 = arith.constant 0 : index
    %get3A_139 = arith.constant 256 : index
    %get3A_140 = vector.load %arg5[%get3A_138, %get3A_139] : memref<1x384xf32, #tpu.memory_space<vmem>>, vector<1x128xf32>
    %get3A_141 = vector.shape_cast %get3A_140 : vector<1x128xf32> to vector<128xf32>
    %broadcast_in_dim3A_142 = vector.shape_cast %get3A_141 : vector<128xf32> to vector<1x128xf32>
    %add3A_143 = vector.broadcast %broadcast_in_dim3A_142 : vector<1x128xf32> to vector<400x128xf32>
    %add3A_144 = arith.addf %sub3A_137, %add3A_143 : vector<400x128xf32>
    %reduce_sum3A_145 = arith.constant dense<0.000000e+00> : vector<128xf32>
    %reduce_sum3A_146 = vector.multi_reduction <add>, %add3A_144, %reduce_sum3A_145 [0] : vector<400x128xf32> to vector<128xf32>
    %broadcast_in_dim3A_147 = vector.shape_cast %reduce_sum3A_146 : vector<128xf32> to vector<1x128xf32>
    %add3A_148 = arith.addf %add3A_99, %broadcast_in_dim3A_147 : vector<1x128xf32>
    %mul3A_149 = arith.mulf %add3A_144, %add3A_144 : vector<400x128xf32>
    %reduce_sum3A_150 = arith.constant dense<0.000000e+00> : vector<128xf32>
    %reduce_sum3A_151 = vector.multi_reduction <add>, %mul3A_149, %reduce_sum3A_150 [0] : vector<400x128xf32> to vector<128xf32>
    %broadcast_in_dim3A_152 = vector.shape_cast %reduce_sum3A_151 : vector<128xf32> to vector<1x128xf32>
    %add3A_153 = arith.addf %add3A_104, %broadcast_in_dim3A_152 : vector<1x128xf32>
    %concatenate3A = tpu.concatenate %add3A_48, %add3A_95, %add3A_144 in 1 : vector<400x128xf32>, vector<400x128xf32>, vector<400x128xf32> -> vector<400x384xf32>
    %swap3A = arith.constant 0 : index
    %swap3A_154 = arith.constant 0 : index
    %swap3A_155 = vector.load %arg6[%swap3A, %swap3A_154] : memref<400x384xf32, #tpu.memory_space<vmem>>, vector<400x384xf32>
    tpu.vector_store %arg6[%swap3A, %swap3A_154], %concatenate3A {strides = array<i32>} : memref<400x384xf32, #tpu.memory_space<vmem>>, vector<400x384xf32>,
    %get3A_156 = arith.constant 0 : index
    %get3A_157 = arith.constant 0 : index
    %get3A_158 = vector.load %arg7[%get3A_156, %get3A_157] : memref<2x128xf32, #tpu.memory_space<vmem>>, vector<1x128xf32>
    %add3A_159 = arith.addf %get3A_158, %add3A_148 : vector<1x128xf32>
    %swap3A_160 = arith.constant 0 : index
    %swap3A_161 = arith.constant 0 : index
    %swap3A_162 = vector.load %arg7[%swap3A_160, %swap3A_161] : memref<2x128xf32, #tpu.memory_space<vmem>>, vector<1x128xf32>
    tpu.vector_store %arg7[%swap3A_160, %swap3A_161], %add3A_159 {strides = array<i32>} : memref<2x128xf32, #tpu.memory_space<vmem>>, vector<1x128xf32>,
    %get3A_163 = arith.constant 1 : index
    %get3A_164 = arith.constant 0 : index
    %get3A_165 = vector.load %arg7[%get3A_163, %get3A_164] : memref<2x128xf32, #tpu.memory_space<vmem>>, vector<1x128xf32>
    %add3A_166 = arith.addf %get3A_165, %add3A_153 : vector<1x128xf32>
    %swap3A_167 = arith.constant 1 : index
    %swap3A_168 = arith.constant 0 : index
    %swap3A_169 = vector.load %arg7[%swap3A_167, %swap3A_168] : memref<2x128xf32, #tpu.memory_space<vmem>>, vector<1x128xf32>
    tpu.vector_store %arg7[%swap3A_167, %swap3A_168], %add3A_166 {strides = array<i32>} : memref<2x128xf32, #tpu.memory_space<vmem>>, vector<1x128xf32>,
    return
  }
  func.func @transform_0(%arg0: i32) -> (i32, i32) {
    %c0_i32 = arith.constant 0 : i32
    %c0_i32_0 = arith.constant 0 : i32
    return %arg0, %c0_i32 : i32, i32
  }
  func.func @transform_1(%arg0: i32) -> (i32, i32, i32) {
    %c0_i32 = arith.constant 0 : i32
    %c0_i32_0 = arith.constant 0 : i32
    %c0_i32_1 = arith.constant 0 : i32
    return %c0_i32, %arg0, %c0_i32_0 : i32, i32, i32
  }
  func.func @transform_2(%arg0: i32) -> (i32, i32) {
    %c0_i32 = arith.constant 0 : i32
    %c0_i32_0 = arith.constant 0 : i32
    %c0_i32_1 = arith.constant 0 : i32
    return %c0_i32, %c0_i32_0 : i32, i32
  }
  func.func @transform_3(%arg0: i32) -> (i32, i32) {
    %c0_i32 = arith.constant 0 : i32
    %c0_i32_0 = arith.constant 0 : i32
    %c0_i32_1 = arith.constant 0 : i32
    return %c0_i32, %c0_i32_0 : i32, i32
  }
  func.func @transform_4(%arg0: i32) -> (i32, i32) {
    %c0_i32 = arith.constant 0 : i32
    %c0_i32_0 = arith.constant 0 : i32
    %c0_i32_1 = arith.constant 0 : i32
    return %c0_i32, %c0_i32_0 : i32, i32
  }
  func.func @transform_5(%arg0: i32) -> (i32, i32) {
    %c0_i32 = arith.constant 0 : i32
    %c0_i32_0 = arith.constant 0 : i32
    return %arg0, %c0_i32 : i32, i32
  }
  func.func @transform_6(%arg0: i32) -> (i32, i32) {
    %c0_i32 = arith.constant 0 : i32
    %c0_i32_0 = arith.constant 0 : i32
    %c0_i32_1 = arith.constant 0 : i32
    return %c0_i32, %c0_i32_0 : i32, i32
  }
}

module attributes {stable_mosaic.version = 14 : i64} {
  func.func @_k4_body(%arg0: i32, %arg1: memref<800x384xf32, #tpu.memory_space<vmem>>, %arg2: memref<1x384xf32, #tpu.memory_space<vmem>>, %arg3: memref<1x384xf32, #tpu.memory_space<vmem>>, %arg4: memref<384x128xf32, #tpu.memory_space<vmem>>, %arg5: memref<1x128xf32, #tpu.memory_space<vmem>>, %arg6: memref<800x128xf32, #tpu.memory_space<vmem>>, %arg7: memref<2x128xf32, #tpu.memory_space<vmem>>) attributes {dimension_semantics = [#tpu.dimension_semantics<arbitrary>], iteration_bounds = array<i64: 20>, scalar_prefetch = 0 : i64, scratch_operands = 0 : i64, tpu.core_type = #tpu.core_type<tc>, window_params = [{transform_indices = @transform_0, window_bounds = array<i64: 800, 384>}, {pipeline_mode = #tpu.pipeline_mode<synchronous>, transform_indices = @transform_1, window_bounds = array<i64: 1, 384>}, {pipeline_mode = #tpu.pipeline_mode<synchronous>, transform_indices = @transform_2, window_bounds = array<i64: 1, 384>}, {pipeline_mode = #tpu.pipeline_mode<synchronous>, transform_indices = @transform_3, window_bounds = array<i64: 384, 128>}, {pipeline_mode = #tpu.pipeline_mode<synchronous>, transform_indices = @transform_4, window_bounds = array<i64: 1, 128>}, {transform_indices = @transform_5, window_bounds = array<i64: 800, 128>}, {pipeline_mode = #tpu.pipeline_mode<synchronous>, transform_indices = @transform_6, window_bounds = array<i64: 2, 128>}]} {
    %eq3A = arith.constant 0 : i32
    %eq3A_0 = arith.cmpi eq, %arg0, %eq3A : i32
    %convert_element_type3A = arith.extui %eq3A_0 : i1 to i32
    %cond3A = arith.constant 0 : i32
    %cond3A_1 = arith.cmpi ne, %convert_element_type3A, %cond3A : i32
    scf.if %cond3A_1 {
      %broadcast_in_dim3A_50 = arith.constant 0.000000e+00 : f32
      %broadcast_in_dim3A_51 = vector.broadcast %broadcast_in_dim3A_50 : f32 to vector<2x128xf32>
      %swap3A_52 = arith.constant 0 : index
      %swap3A_53 = arith.constant 0 : index
      %swap3A_54 = vector.load %arg7[%swap3A_52, %swap3A_53] : memref<2x128xf32, #tpu.memory_space<vmem>>, vector<2x128xf32>
      tpu.vector_store %arg7[%swap3A_52, %swap3A_53], %broadcast_in_dim3A_51 {strides = array<i32>} : memref<2x128xf32, #tpu.memory_space<vmem>>, vector<2x128xf32>,
    } else {
    }
    %get3A = arith.constant 0 : index
    %get3A_2 = arith.constant 0 : index
    %get3A_3 = vector.load %arg1[%get3A, %get3A_2] : memref<800x384xf32, #tpu.memory_space<vmem>>, vector<800x384xf32>
    %get3A_4 = arith.constant 0 : index
    %get3A_5 = arith.constant 0 : index
    %get3A_6 = vector.load %arg2[%get3A_4, %get3A_5] : memref<1x384xf32, #tpu.memory_space<vmem>>, vector<1x384xf32>
    %get3A_7 = vector.shape_cast %get3A_6 : vector<1x384xf32> to vector<384xf32>
    %broadcast_in_dim3A = vector.shape_cast %get3A_7 : vector<384xf32> to vector<1x384xf32>
    %mul3A = vector.broadcast %broadcast_in_dim3A : vector<1x384xf32> to vector<800x384xf32>
    %mul3A_8 = arith.mulf %get3A_3, %mul3A : vector<800x384xf32>
    %get3A_9 = arith.constant 0 : index
    %get3A_10 = arith.constant 0 : index
    %get3A_11 = vector.load %arg3[%get3A_9, %get3A_10] : memref<1x384xf32, #tpu.memory_space<vmem>>, vector<1x384xf32>
    %get3A_12 = vector.shape_cast %get3A_11 : vector<1x384xf32> to vector<384xf32>
    %broadcast_in_dim3A_13 = vector.shape_cast %get3A_12 : vector<384xf32> to vector<1x384xf32>
    %add3A = vector.broadcast %broadcast_in_dim3A_13 : vector<1x384xf32> to vector<800x384xf32>
    %add3A_14 = arith.addf %mul3A_8, %add3A : vector<800x384xf32>
    %max3A = arith.constant 0.000000e+00 : f32
    %max3A_15 = vector.broadcast %max3A : f32 to vector<800x384xf32>
    %max3A_16 = arith.maximumf %add3A_14, %max3A_15 : vector<800x384xf32>
    %get3A_17 = arith.constant 0 : index
    %get3A_18 = arith.constant 0 : index
    %get3A_19 = vector.load %arg4[%get3A_17, %get3A_18] : memref<384x128xf32, #tpu.memory_space<vmem>>, vector<384x128xf32>
    %dot_general3A = arith.constant dense<0.000000e+00> : vector<800x128xf32>
    %dot_general3A_20 = tpu.matmul %max3A_16, %get3A_19, %dot_general3A {dimension_numbers = #tpu.dot_dimension_numbers<[1], [0], [0], [1], [0, 0, 1, 1], [], []>, transpose_lhs_hint = false} : vector<800x384xf32>, vector<384x128xf32>, vector<800x128xf32> -> vector<800x128xf32>
    %get3A_21 = arith.constant 0 : index
    %get3A_22 = arith.constant 0 : index
    %get3A_23 = vector.load %arg5[%get3A_21, %get3A_22] : memref<1x128xf32, #tpu.memory_space<vmem>>, vector<1x128xf32>
    %get3A_24 = vector.shape_cast %get3A_23 : vector<1x128xf32> to vector<128xf32>
    %broadcast_in_dim3A_25 = vector.shape_cast %get3A_24 : vector<128xf32> to vector<1x128xf32>
    %add3A_26 = vector.broadcast %broadcast_in_dim3A_25 : vector<1x128xf32> to vector<800x128xf32>
    %add3A_27 = arith.addf %dot_general3A_20, %add3A_26 : vector<800x128xf32>
    %swap3A = arith.constant 0 : index
    %swap3A_28 = arith.constant 0 : index
    %swap3A_29 = vector.load %arg6[%swap3A, %swap3A_28] : memref<800x128xf32, #tpu.memory_space<vmem>>, vector<800x128xf32>
    tpu.vector_store %arg6[%swap3A, %swap3A_28], %add3A_27 {strides = array<i32>} : memref<800x128xf32, #tpu.memory_space<vmem>>, vector<800x128xf32>,
    %get3A_30 = arith.constant 0 : index
    %get3A_31 = arith.constant 0 : index
    %get3A_32 = vector.load %arg7[%get3A_30, %get3A_31] : memref<2x128xf32, #tpu.memory_space<vmem>>, vector<1x128xf32>
    %reduce_sum3A = arith.constant dense<0.000000e+00> : vector<128xf32>
    %reduce_sum3A_33 = vector.multi_reduction <add>, %add3A_27, %reduce_sum3A [0] : vector<800x128xf32> to vector<128xf32>
    %broadcast_in_dim3A_34 = vector.shape_cast %reduce_sum3A_33 : vector<128xf32> to vector<1x128xf32>
    %add3A_35 = arith.addf %get3A_32, %broadcast_in_dim3A_34 : vector<1x128xf32>
    %swap3A_36 = arith.constant 0 : index
    %swap3A_37 = arith.constant 0 : index
    %swap3A_38 = vector.load %arg7[%swap3A_36, %swap3A_37] : memref<2x128xf32, #tpu.memory_space<vmem>>, vector<1x128xf32>
    tpu.vector_store %arg7[%swap3A_36, %swap3A_37], %add3A_35 {strides = array<i32>} : memref<2x128xf32, #tpu.memory_space<vmem>>, vector<1x128xf32>,
    %get3A_39 = arith.constant 1 : index
    %get3A_40 = arith.constant 0 : index
    %get3A_41 = vector.load %arg7[%get3A_39, %get3A_40] : memref<2x128xf32, #tpu.memory_space<vmem>>, vector<1x128xf32>
    %mul3A_42 = arith.mulf %add3A_27, %add3A_27 : vector<800x128xf32>
    %reduce_sum3A_43 = arith.constant dense<0.000000e+00> : vector<128xf32>
    %reduce_sum3A_44 = vector.multi_reduction <add>, %mul3A_42, %reduce_sum3A_43 [0] : vector<800x128xf32> to vector<128xf32>
    %broadcast_in_dim3A_45 = vector.shape_cast %reduce_sum3A_44 : vector<128xf32> to vector<1x128xf32>
    %add3A_46 = arith.addf %get3A_41, %broadcast_in_dim3A_45 : vector<1x128xf32>
    %swap3A_47 = arith.constant 1 : index
    %swap3A_48 = arith.constant 0 : index
    %swap3A_49 = vector.load %arg7[%swap3A_47, %swap3A_48] : memref<2x128xf32, #tpu.memory_space<vmem>>, vector<1x128xf32>
    tpu.vector_store %arg7[%swap3A_47, %swap3A_48], %add3A_46 {strides = array<i32>} : memref<2x128xf32, #tpu.memory_space<vmem>>, vector<1x128xf32>,
    return
  }
  func.func @transform_0(%arg0: i32) -> (i32, i32) {
    %c0_i32 = arith.constant 0 : i32
    %c0_i32_0 = arith.constant 0 : i32
    return %arg0, %c0_i32 : i32, i32
  }
  func.func @transform_1(%arg0: i32) -> (i32, i32) {
    %c0_i32 = arith.constant 0 : i32
    %c0_i32_0 = arith.constant 0 : i32
    %c0_i32_1 = arith.constant 0 : i32
    return %c0_i32, %c0_i32_0 : i32, i32
  }
  func.func @transform_2(%arg0: i32) -> (i32, i32) {
    %c0_i32 = arith.constant 0 : i32
    %c0_i32_0 = arith.constant 0 : i32
    %c0_i32_1 = arith.constant 0 : i32
    return %c0_i32, %c0_i32_0 : i32, i32
  }
  func.func @transform_3(%arg0: i32) -> (i32, i32) {
    %c0_i32 = arith.constant 0 : i32
    %c0_i32_0 = arith.constant 0 : i32
    %c0_i32_1 = arith.constant 0 : i32
    return %c0_i32, %c0_i32_0 : i32, i32
  }
  func.func @transform_4(%arg0: i32) -> (i32, i32) {
    %c0_i32 = arith.constant 0 : i32
    %c0_i32_0 = arith.constant 0 : i32
    %c0_i32_1 = arith.constant 0 : i32
    return %c0_i32, %c0_i32_0 : i32, i32
  }
  func.func @transform_5(%arg0: i32) -> (i32, i32) {
    %c0_i32 = arith.constant 0 : i32
    %c0_i32_0 = arith.constant 0 : i32
    return %arg0, %c0_i32 : i32, i32
  }
  func.func @transform_6(%arg0: i32) -> (i32, i32) {
    %c0_i32 = arith.constant 0 : i32
    %c0_i32_0 = arith.constant 0 : i32
    %c0_i32_1 = arith.constant 0 : i32
    return %c0_i32, %c0_i32_0 : i32, i32
  }
}

module attributes {stable_mosaic.version = 14 : i64} {
  func.func @_k5_body(%arg0: i32, %arg1: memref<1x2000x128xf32, #tpu.memory_space<vmem>>, %arg2: memref<1x128xf32, #tpu.memory_space<vmem>>, %arg3: memref<1x128xf32, #tpu.memory_space<vmem>>, %arg4: memref<1x128x2000xf32, #tpu.memory_space<vmem>>) attributes {dimension_semantics = [#tpu.dimension_semantics<arbitrary>], iteration_bounds = array<i64: 8>, scalar_prefetch = 0 : i64, scratch_operands = 0 : i64, tpu.core_type = #tpu.core_type<tc>, window_params = [{transform_indices = @transform_0, window_bounds = array<i64: 1, 2000, 128>}, {pipeline_mode = #tpu.pipeline_mode<synchronous>, transform_indices = @transform_1, window_bounds = array<i64: 1, 128>}, {pipeline_mode = #tpu.pipeline_mode<synchronous>, transform_indices = @transform_2, window_bounds = array<i64: 1, 128>}, {transform_indices = @transform_3, window_bounds = array<i64: 1, 128, 2000>}]} {
    %get3A = arith.constant 0 : index
    %get3A_0 = arith.constant 0 : index
    %get3A_1 = arith.constant 0 : index
    %get3A_2 = vector.load %arg1[%get3A, %get3A_0, %get3A_1] : memref<1x2000x128xf32, #tpu.memory_space<vmem>>, vector<1x2000x128xf32>
    %get3A_3 = vector.shape_cast %get3A_2 : vector<1x2000x128xf32> to vector<2000x128xf32>
    %get3A_4 = arith.constant 0 : index
    %get3A_5 = arith.constant 0 : index
    %get3A_6 = vector.load %arg2[%get3A_4, %get3A_5] : memref<1x128xf32, #tpu.memory_space<vmem>>, vector<1x128xf32>
    %get3A_7 = vector.shape_cast %get3A_6 : vector<1x128xf32> to vector<128xf32>
    %broadcast_in_dim3A = vector.shape_cast %get3A_7 : vector<128xf32> to vector<1x128xf32>
    %mul3A = vector.broadcast %broadcast_in_dim3A : vector<1x128xf32> to vector<2000x128xf32>
    %mul3A_8 = arith.mulf %get3A_3, %mul3A : vector<2000x128xf32>
    %get3A_9 = arith.constant 0 : index
    %get3A_10 = arith.constant 0 : index
    %get3A_11 = vector.load %arg3[%get3A_9, %get3A_10] : memref<1x128xf32, #tpu.memory_space<vmem>>, vector<1x128xf32>
    %get3A_12 = vector.shape_cast %get3A_11 : vector<1x128xf32> to vector<128xf32>
    %broadcast_in_dim3A_13 = vector.shape_cast %get3A_12 : vector<128xf32> to vector<1x128xf32>
    %add3A = vector.broadcast %broadcast_in_dim3A_13 : vector<1x128xf32> to vector<2000x128xf32>
    %add3A_14 = arith.addf %mul3A_8, %add3A : vector<2000x128xf32>
    %max3A = arith.constant 0.000000e+00 : f32
    %max3A_15 = vector.broadcast %max3A : f32 to vector<2000x128xf32>
    %max3A_16 = arith.maximumf %add3A_14, %max3A_15 : vector<2000x128xf32>
    %transpose3A = tpu.transpose %max3A_16, [1, 0] : vector<2000x128xf32> -> vector<128x2000xf32>
    %swap3A = arith.constant 0 : index
    %swap3A_17 = arith.constant 0 : index
    %swap3A_18 = arith.constant 0 : index
    %swap3A_19 = vector.load %arg4[%swap3A, %swap3A_17, %swap3A_18] : memref<1x128x2000xf32, #tpu.memory_space<vmem>>, vector<1x128x2000xf32>
    %swap3A_20 = vector.shape_cast %swap3A_19 : vector<1x128x2000xf32> to vector<128x2000xf32>
    %swap3A_21 = vector.shape_cast %transpose3A : vector<128x2000xf32> to vector<1x128x2000xf32>
    tpu.vector_store %arg4[%swap3A, %swap3A_17, %swap3A_18], %swap3A_21 {strides = array<i32>} : memref<1x128x2000xf32, #tpu.memory_space<vmem>>, vector<1x128x2000xf32>,
    return
  }
  func.func @transform_0(%arg0: i32) -> (i32, i32, i32) {
    %c0_i32 = arith.constant 0 : i32
    %c0_i32_0 = arith.constant 0 : i32
    %c0_i32_1 = arith.constant 0 : i32
    return %arg0, %c0_i32, %c0_i32_0 : i32, i32, i32
  }
  func.func @transform_1(%arg0: i32) -> (i32, i32) {
    %c0_i32 = arith.constant 0 : i32
    %c0_i32_0 = arith.constant 0 : i32
    %c0_i32_1 = arith.constant 0 : i32
    return %c0_i32, %c0_i32_0 : i32, i32
  }
  func.func @transform_2(%arg0: i32) -> (i32, i32) {
    %c0_i32 = arith.constant 0 : i32
    %c0_i32_0 = arith.constant 0 : i32
    %c0_i32_1 = arith.constant 0 : i32
    return %c0_i32, %c0_i32_0 : i32, i32
  }
  func.func @transform_3(%arg0: i32) -> (i32, i32, i32) {
    %c0_i32 = arith.constant 0 : i32
    %c0_i32_0 = arith.constant 0 : i32
    %c0_i32_1 = arith.constant 0 : i32
    return %arg0, %c0_i32, %c0_i32_0 : i32, i32, i32
  }
}

</mosaic_0001>

<sc_bundles>
// kernel: kernel.7.cloned.1.call-start
scs
__scs_entry_jumppad:
0x0: {  	(pc) =	sbr.rel $0x88, $3  }
0x1: {  	(tag) =	ssettag $0x0;
	lr =	simm.s32 $0x1  }
0x2: {  	[smem:$0x3F97] =	sst lr;
	_ =	strace $0xD0000000  }
0x3: {  	_ = 	snop  }
0x4: {  	_ = 	snop  }
0x5: {  	_ = 	snop  }
0x6: {  	_ = 	snop  }
0x7: {  	_ = 	snop  }
__scs_overlays_trampoline_lowered:
0x8: {  	[smem:$0x3FA6] =	sst s0  }
0x9: {  	[smem:$0x3FA7] =	sst s1  }
0xa: {  	[smem:$0x3FA8] =	sst s2  }
0xb: {  	[smem:$0x3FA9] =	sst s3  }
0xc: {  	[smem:$0x3FAA] =	sst s4  }
0xd: {  	[smem:$0x3FAB] =	sst s5  }
0xe: {  	[smem:$0x3FAC] =	sst s6  }
0xf: {  	[smem:$0x3FAD] =	sst s7  }
0x10: {  	[smem:$0x3FAE] =	sst s8  }
0x11: {  	[smem:$0x3FAF] =	sst s9;
	s0 =	simm.s32 @!p0 $0x0  }
0x12: {  	s1 =	sld [smem:$0x3F95];
	s0 =	simm.s32 @p0 $0x1  }
0x13: {  	[smem:$0x3FB0] =	sst s0;
	s0 =	simm.s32 @!p1 $0x0  }
0x14: {  	s2 =	sld [smem:$0x3F94];
	s0 =	simm.s32 @p1 $0x1  }
0x15: {  	[smem:$0x3FB1] =	sst s0;
	s0 =	simm.s32 @!p2 $0x0  }
0x16: {  	s3 =	sld [smem:$0x3FDB];
	s0 =	simm.s32 @p2 $0x1  }
0x17: {  	s4 =	simm.s32 $0x1BF5;
	[smem:$0x3FB3] =	sst s0  }
0x18: {  	s0 =	sld [smem:$0x3F96];
	_ =	swait.ge [sflag:s4], $0x0  }
0x19: {  	s7 =	sld [smem:$0x3F97]  }
0x1a: {  	s8 =	sadd.s32 $0xFFFFE003, lr  }
0x1b: {  	s9 =	sadd.s32 $0xFFFFFEF7, lr;
	s5 =	simm.s32 $0xFFFFFFFF;
	p2 =	slt.u32 s8, $0xFFFFF086  }
0x1c: {  	p1 =	slt.u32 s9, $0xF7A;
	s5 =	simm.s32 @!p2 $0x0  }
0x1d: {  	s5 =	simm.s32 @p1 $0x1;
	p0 =	seq.s32 s7, s2  }
0x1e: {  	s7 =	smul.u32 @!p0 $0xF7A, s2;
	p2 =	seq.s32 @!p0 s5, $0x0  }
0x1f: {  	s9 =	smul.u32 $0xF7A, s1;
	s8 =	simm.s32 @!p0 $0x1BF5;
	p2 =	por !p2, p0  }
0x20: {  	[sflag:s8] =	ssyncset.s32 @!p0 $0xFFFFF086;
	s6 =	sadd.s32 @!p0 s3, s7;
	s7 =	simm.s32 @!p0 $0x108  }
0x21: {  	s3 =	sadd.s32 s3, s9;
	s6 =	sadd.s32 @!p0 $0x88, s6;
	s7 =	simm.s32 @p2 $0x1082  }
0x22: {  	[simem:s7], [sflag:s8] =	dma.local @!p0 [hbm:s6], $0xF7A  }
0x23: {  	s9 =	sor.u32 $0xD0000000, s2;
	s6 =	simm.s32 $0x108;
	_ =	swait.ge @!p0 [sflag:s8], $0x0  }
0x24: {  	s3 =	sadd.s32 $0x88, s3;
	s6 =	simm.s32 @!p1 $0x1082;
	[sflag:s4] =	ssyncset.s32 $0xFFFFF086  }
0x25: {  	[simem:s6], [sflag:s4] =	dma.local [hbm:s3], $0xF7A  }
0x26: {  	[smem:$0x3F97] =	sst s1;
	(tag) =	ssettag s2;
	_ =	strace s9  }
0x27: {  	s1 =	sld [smem:$0x3FA7]  }
0x28: {  	s2 =	sld [smem:$0x3FA8]  }
0x29: {  	s4 =	sld [smem:$0x3FAA]  }
0x2a: {  	p0 =	seq.s32 s5, $0x0;
	s5 =	sld [smem:$0x3FAB]  }
0x2b: {  	s6 =	sld [smem:$0x3FAC]  }
0x2c: {  	s7 =	sld [smem:$0x3FAD]  }
0x2d: {  	s3 =	simm.s32 $0x108;
	s8 =	sld [smem:$0x3FAE]  }
0x2e: {  	s3 =	simm.s32 @!p0 $0x1082;
	s9 =	sld [smem:$0x3FAF]  }
0x2f: {  	lr =	sadd.s32 s0, s3;
	s0 =	sld [smem:$0x3FA6]  }
0x30: {  	s3 =	sld [smem:$0x3FA9]  }
0x31: {  	[smem:$0x3FB2] =	sst s10  }
0x32: {  	s10 =	sld [smem:$0x3FB0];
	_ =	sdelay $0x3  }
0x33: {  	p0 =	seq.s32 s10, $0x1;
	s10 =	sld [smem:$0x3FB2];
	_ =	sdelay $0x3  }
0x34: {  	[smem:$0x3FB2] =	sst s10  }
0x35: {  	s10 =	sld [smem:$0x3FB1];
	_ =	sdelay $0x3  }
0x36: {  	p1 =	seq.s32 s10, $0x1;
	s10 =	sld [smem:$0x3FB2];
	_ =	sdelay $0x3  }
0x37: {  	[smem:$0x3FB2] =	sst s10  }
0x38: {  	s10 =	sld [smem:$0x3FB3]  }
0x39: {  	_ = 	snop;
	(pc) =	sbr.ind lr, $3  }
0x3a: {  	_ = 	snop  }
0x3b: {  	_ = 	snop  }
0x3c: {  	p2 =	seq.s32 s10, $0x1;
	s10 =	sld [smem:$0x3FB2]  }
0x3d: {  	_ =	shalt  }
0x3e: {  	_ =	shalt  }
0x3f: {  	_ =	shalt  }
0x40: {  	_ =	shalt  }
0x41: {  	_ =	shalt  }
0x42: {  	_ =	shalt  }
0x43: {  	_ =	shalt  }
0x44: {  	_ =	shalt  }
0x45: {  	_ =	shalt  }
0x46: {  	_ =	shalt  }
0x47: {  	_ =	shalt  }
0x48: {  	_ =	shalt  }
0x49: {  	_ =	shalt  }
0x4a: {  	_ =	shalt  }
0x4b: {  	_ =	shalt  }
0x4c: {  	_ =	shalt  }
0x4d: {  	_ =	shalt  }
0x4e: {  	_ =	shalt  }
0x4f: {  	_ =	shalt  }
0x50: {  	_ =	shalt  }
0x51: {  	_ =	shalt  }
0x52: {  	_ =	shalt  }
0x53: {  	_ =	shalt  }
0x54: {  	_ =	shalt  }
0x55: {  	_ =	shalt  }
0x56: {  	_ =	shalt  }
0x57: {  	_ =	shalt  }
0x58: {  	_ =	shalt  }
0x59: {  	_ =	shalt  }
0x5a: {  	_ =	shalt  }
0x5b: {  	_ =	shalt  }
0x5c: {  	_ =	shalt  }
0x5d: {  	_ =	shalt  }
0x5e: {  	_ =	shalt  }
0x5f: {  	_ =	shalt  }
0x60: {  	_ =	shalt  }
0x61: {  	_ =	shalt  }
0x62: {  	_ =	shalt  }
0x63: {  	_ =	shalt  }
0x64: {  	_ =	shalt  }
0x65: {  	_ =	shalt  }
0x66: {  	_ =	shalt  }
0x67: {  	_ =	shalt  }
0x68: {  	_ =	shalt  }
0x69: {  	_ =	shalt  }
0x6a: {  	_ =	shalt  }
0x6b: {  	_ =	shalt  }
0x6c: {  	_ =	shalt  }
0x6d: {  	_ =	shalt  }
0x6e: {  	_ =	shalt  }
0x6f: {  	_ =	shalt  }
0x70: {  	_ =	shalt  }
0x71: {  	_ =	shalt  }
0x72: {  	_ =	shalt  }
0x73: {  	_ =	shalt  }
0x74: {  	_ =	shalt  }
0x75: {  	_ =	shalt  }
0x76: {  	_ =	shalt  }
0x77: {  	_ =	shalt  }
0x78: {  	_ =	shalt  }
0x79: {  	_ =	shalt  }
0x7a: {  	_ =	shalt  }
0x7b: {  	_ =	shalt  }
0x7c: {  	_ =	shalt  }
0x7d: {  	_ =	shalt  }
0x7e: {  	_ =	shalt  }
0x7f: {  	_ =	shalt  }
0x80: {  	_ =	shalt  }
0x81: {  	_ =	shalt  }
0x82: {  	_ =	shalt  }
0x83: {  	_ =	shalt  }
0x84: {  	_ =	shalt  }
0x85: {  	_ =	shalt  }
0x86: {  	_ =	shalt  }
0x87: {  	_ =	shalt  }
.Lfunc_end0:
.L_simem_size_0:
called_computation_lowered:
.L_overlay_start_0:
0x88: {  	s2 =	sld [smem:$0x3FD9]  }
0x89: {  	s3 =	sld [smem:$0x3FFE];
	_ =	sdelay $0x1  }
0x8a: {  	s1 =	srdreg.scid  }
0x8b: {  	s0 =	sand.u32 $0x1, s1  }
0x8c: {  	s17 =	sshll.u32 s0, $0xA;
	s2 =	sadd.s32 s3, s2  }
0x8d: {  	s2 =	sadd.s32 s2, s17  }
0x8e: {  	[smem:$0x3FBE] =	sst s2  }
0x8f: {  	_ = 	snop  }
0x90: {  	s2 =	sld [smem:$0x3FC9]  }
0x91: {  	s18 =	sld [smem:$0x3FD0];
	(tm) =	ssettm $0x1  }
0x92: {  	s4 =	sld [smem:$0x3FFB];
	_ =	sdelay $0x3  }
0x93: {  	_ =	strace s4  }
0x94: {  	s4 =	sld [smem:$0x3FFC];
	_ =	sdelay $0x3  }
0x95: {  	_ =	strace s4  }
0x96: {  	s4 =	sld [smem:$0x3FFD];
	_ =	sdelay $0x3  }
0x97: {  	_ =	strace s4  }
0x98: {  	_ =	strace $0x8FFFFFFF  }
0x99: {  	s19 =	sld [smem:$0x3FDB];
	_ =	sdelay $0x1  }
0x9a: {  	s5 =	simm.s32 $_scs_section_size  }
0x9b: {  	s6 =	simm.s32 $_size__tile_overlayer_lowered;
	s7 =	simm.s32 $_tile_overlayer_lowered  }
0x9c: {  	s22 =	simm.s32 $0x1BFF;
	s21 =	sshll.u32 s7, $0x1;
	s4 =	sadd.s32 s5, s19  }
0x9d: {  	s8 =	simm.s32 $0x0;
	s20 =	sshll.u32 s6, $0x1;
	s6 =	sadd.s32 s21, s4  }
0x9e: {  	[timem:s8], [sflag:s22] =	dma.local [hbm:s6], s20  }
0x9f: {  	_ =	swait.ge [sflag:s22], s20  }
0xa0: {  	s5 =	ssub.s32 $0x0, s20;
	[sflag:s22] =	ssyncset.done $0x0  }
0xa1: {  	[sflag:s22] =	ssyncadd.s32 s5;
	_ =	sdelay $0x1  }
0xa2: {  	s23 =	simm.s32 $0x1B8B  }
0xa3: {  	_ =	swait.ge [sflag:s23], $0x1  }
0xa4: {  	[sflag:s23] =	ssyncset.done $0x0  }
0xa5: {  	s25 =	simm.s32 $0x1B8E;
	s24 =	sld [smem:$0x3FFE];
	[sflag:s23] =	ssyncadd.s32 $0xFFFFFFFF  }
0xa6: {  	s26 =	simm.s32 $execute0_lowered;
	[smem:$0x3FD2] =	sst s25  }
0xa7: {  	s6 =	sshll.u32 s26, $0x1;
	_ =	strace $0x80000046;
	[dreg:$0x1] =	wrdreg $0xFFFFFFFF  }
0xa8: {  	s28 =	simm.s32 $_size_execute0_lowered;
	s4 =	sadd.s32 s4, s6;
	[dreg:$0x0] =	wrdreg $0x0  }
0xa9: {  	s6 =	sshll.u32 s28, $0x1;
	[dreg:$0x2] =	wrdreg s4  }
0xaa: {  	[dreg:$0x3] =	wrdreg s6  }
0xab: {  	[dreg:$0x4] =	wrdreg $0xC0  }
0xac: {  	_ =	task [dreg:s8], $0x5FFFF  }
0xad: {  	[dreg:$0x1] =	wrdreg $0xFFFFFFFF  }
0xae: {  	[dreg:$0x0] =	wrdreg $0x60  }
0xaf: {  	[dreg:$0x2] =	wrdreg s2  }
0xb0: {  	[dreg:$0x3] =	wrdreg s18  }
0xb1: {  	[dreg:$0x4] =	wrdreg s24  }
0xb2: {  	[dreg:$0x5] =	wrdreg $0x9  }
0xb3: {  	_ =	task.clear_ibuf [dreg:s8], $0x6FFFF;
	_ =	strace $0x90000046  }
0xb4: {  	s29 =	simm.s32 $0x9;
	_ =	strace $0x80000048  }
0xb5: {  	_ =	swait.ge [sflag:s29], $0x1  }
0xb6: {  	[sflag:s29] =	ssyncadd.s32 $0xFFFFFFFF  }
0xb7: {  	_ =	strace $0x90000048  }
0xb8: {  	_ =	sfence  }
0xb9: {  	s30 =	sld [smem:$0x0];
	_ =	sdelay $0x2  }
0xba: {  	s31 =	sshll.u32 s1, $0xD;
	s1 =	sshrl.u32 s1, $0x2  }
0xbb: {  	s3 =	sand.u32 $0x4000, s31;
	s1 =	sadd.s32 s1, s30  }
0xbc: {  	s0 =	sor.u32 s3, s0;
	s1 =	sshll.u32 s1, $0x11  }
0xbd: {  	s0 =	sor.u32 s1, s0  }
0xbe: {  	s0 =	sadd.s32 $0x8F2B, s0  }
0xbf: {  	[sflag:s0] =	ssyncadd.remote.s32 $0x1  }
0xc0: {  	_ =	sfence.sel $0xFFFF  }
0xc1: {  	[dreg:$0x0] =	wrdreg $0xFFFFFFFF;
	(pc) =	sbr.abs _section_cstart, $3  }
0xc2: {  	[dreg:$0x1] =	wrdreg $0xFFFFFFFF  }
0xc3: {  	_ =	task.clear_ibuf [dreg:s8], $0x2FFFF;
	_ =	strace $0x9FFFFFFF  }
0xc4: {  	(tm) =	ssettm $0x7FFFFFFF  }
0xc5: {  	_ =	shalt  }
tec
execute0_lowered:
.L_overlay_start_1:
0x0: {  	(tag) =	ssettag $0x1  }
0x1: {  	s1 =	rddreg [dreg:$0x0]  }
0x2: {  	s4 =	rddreg [dreg:$0x1]  }
0x3: {  	s5 =	rddreg [dreg:$0x2];
	s6 =	srdreg.scid  }
0x4: {  	s2 =	stileid.u32;
	s3 =	simm.s32 $0x0;
	s12 =	simm.s32 $0x80  }
0x5: {  	s13 =	simm.s32 $0x1200;
	s14 =	simm.s32 $0x5200;
	s15 =	simm.s32 $0x1  }
0x6: {  	s16 =	simm.s32 $0x2;
	s17 =	simm.s32 $0x100;
	s18 =	simm.s32 $0x9200  }
0x7: {  	s19 =	simm.s32 $0x180;
	s20 =	simm.s32 $0xD200;
	s21 =	simm.s32 $0x3  }
0x8: {  	s22 =	simm.s32 $0x4;
	s23 =	simm.s32 $0x5;
	s24 =	simm.s32 $0x6  }
0x9: {  	s25 =	simm.s32 $0x7;
	s6 =	sand.u32 $0x1, s6;
	s7 =	sshll.u32 s2, $0x1  }
0xa: {  	s26 =	simm.s32 $0x8;
	s31 =	smul.u32 $0x24000, s2;
	s7 =	sor.u32 s6, s7  }
0xb: {  	s28 =	simm.s32 $0x0;
	[smem:$0x7FF] =	sst s3;
	s9 =	smul.u32 $0x1200, s7  }
0xc: {  	s10 =	sadd.s32 $0x2C00, s5;
	s8 =	ssub.s32 $0x2, s6;
	s7 =	smul.u32 $0x12000, s7  }
0xd: {  	_ =	strace $0x80000047;
	s11 =	smul.u32 $0x12000, s6;
	s29 =	sshrl.u32 s8, $0x1  }
0xe: {  	s8 =	ssub.s32 s8, s29;
	s30 =	sshrl.u32 s9, $0x3;
	s5 =	sadd.s32 s10, s7  }
0xf: {  	s6 =	smax.u32 s8, $0x1;
	s10 =	sadd.s32 s31, s10;
	s4 =	sadd.s32 s4, s30  }
0x10: {  	s7 =	sadd.s32 $0x800, s5;
	s8 =	sadd.s32 $0x1000, s5;
	s10 =	sadd.s32 s11, s10  }
0x11: {  	s9 =	sadd.s32 $0x1800, s5;
	s11 =	simm.s32 $0x9;
	s10 =	sadd.s32 $0x2000, s10  }
.LBB2_1:
0x12: {  	[tilespmem:s3], [sflag:$0x9] =	stream.linear.gather [hbm4b:s4+s3], $0x1200, $0x38;
	[tilespmem:$0x11200] =	vst v63  }
0x13: {  	_ =	swait.ge [sflag:s11], $0x1200  }
0x14: {  	[sflag:s11] =	ssyncset.done $0x0  }
0x15: {  	[sflag:s11] =	ssyncadd.s32 $0xFFFFEE00  }
0x16: {  	[tilespmem:s13], [sflag:$0x1] =	stream.indirect.gather [hbm4b:s1+s12], $0x80, s3, s12, $0xb8;
	[tilespmem:$0x11200] =	vst v63  }
0x17: {  	_ = 	snop  }
0x18: {  	[tilespmem:s14], [sflag:$0x2] =	stream.indirect.gather [hbm4b:s1+s12], $0x80, s12, s12, $0xb8;
	[tilespmem:$0x11200] =	vst v63  }
0x19: {  	_ =	swait.ge [sflag:s15], $0x4000  }
0x1a: {  	[sflag:s15] =	ssyncset.done $0x0  }
0x1b: {  	[sflag:s15] =	ssyncadd.s32 $0xFFFFC000  }
0x1c: {  	_ =	swait.ge [sflag:s16], $0x4000  }
0x1d: {  	[sflag:s16] =	ssyncset.done $0x0  }
0x1e: {  	[sflag:s16] =	ssyncadd.s32 $0xFFFFC000  }
0x1f: {  	[hbm4b:s5+s3] =	stream.linear.scatter [tilespmem:s13], [sflag:$0x5], $0x4000, $0x38;
	[tilespmem:$0x11200] =	vst v63  }
0x20: {  	_ = 	snop  }
0x21: {  	[hbm4b:s7+s3] =	stream.linear.scatter [tilespmem:s14], [sflag:$0x6], $0x4000, $0x38;
	[tilespmem:$0x11200] =	vst v63  }
0x22: {  	_ = 	snop  }
0x23: {  	[tilespmem:s18], [sflag:$0x3] =	stream.indirect.gather [hbm4b:s1+s12], $0x80, s17, s12, $0xb8;
	[tilespmem:$0x11200] =	vst v63  }
0x24: {  	_ = 	snop  }
0x25: {  	[tilespmem:s20], [sflag:$0x4] =	stream.indirect.gather [hbm4b:s1+s12], $0x80, s19, s12, $0xb8;
	[tilespmem:$0x11200] =	vst v63  }
0x26: {  	_ =	swait.ge [sflag:s21], $0x4000  }
0x27: {  	[sflag:s21] =	ssyncset.done $0x0  }
0x28: {  	[sflag:s21] =	ssyncadd.s32 $0xFFFFC000  }
0x29: {  	_ =	swait.ge [sflag:s22], $0x4000  }
0x2a: {  	[sflag:s22] =	ssyncset.done $0x0  }
0x2b: {  	[sflag:s22] =	ssyncadd.s32 $0xFFFFC000  }
0x2c: {  	[hbm4b:s8+s3] =	stream.linear.scatter [tilespmem:s18], [sflag:$0x7], $0x4000, $0x38;
	[tilespmem:$0x11200] =	vst v63  }
0x2d: {  	_ = 	snop  }
0x2e: {  	[hbm4b:s9+s3] =	stream.linear.scatter [tilespmem:s20], [sflag:$0x8], $0x4000, $0x38;
	[tilespmem:$0x11200] =	vst v63  }
0x2f: {  	_ =	swait.ge [sflag:s23], $0x4000  }
0x30: {  	[sflag:s23] =	ssyncset.done $0x0  }
0x31: {  	[sflag:s23] =	ssyncadd.s32 $0xFFFFC000  }
0x32: {  	_ =	swait.ge [sflag:s24], $0x4000  }
0x33: {  	[sflag:s24] =	ssyncset.done $0x0  }
0x34: {  	s29 =	simm.s32 $0x200;
	[sflag:s24] =	ssyncadd.s32 $0xFFFFC000  }
0x35: {  	[tilespmem:s13], [sflag:$0x1] =	stream.indirect.gather [hbm4b:s1+s12], $0x80, s29, s12, $0xb8;
	[tilespmem:$0x11200] =	vst v63  }
0x36: {  	s29 =	simm.s32 $0x280  }
0x37: {  	[tilespmem:s14], [sflag:$0x2] =	stream.indirect.gather [hbm4b:s1+s12], $0x80, s29, s12, $0xb8;
	[tilespmem:$0x11200] =	vst v63  }
0x38: {  	_ =	swait.ge [sflag:s25], $0x4000  }
0x39: {  	[sflag:s25] =	ssyncset.done $0x0  }
0x3a: {  	[sflag:s25] =	ssyncadd.s32 $0xFFFFC000  }
0x3b: {  	_ =	swait.ge [sflag:s26], $0x4000  }
0x3c: {  	[sflag:s26] =	ssyncset.done $0x0  }
0x3d: {  	[sflag:s26] =	ssyncadd.s32 $0xFFFFC000  }
0x3e: {  	_ =	swait.ge [sflag:s15], $0x4000  }
0x3f: {  	[sflag:s15] =	ssyncset.done $0x0  }
0x40: {  	[sflag:s15] =	ssyncadd.s32 $0xFFFFC000  }
0x41: {  	_ =	swait.ge [sflag:s16], $0x4000  }
0x42: {  	[sflag:s16] =	ssyncset.done $0x0  }
0x43: {  	[sflag:s16] =	ssyncadd.s32 $0xFFFFC000  }
0x44: {  	[hbm4b:s10+s3] =	stream.linear.scatter [tilespmem:s13], [sflag:$0x5], $0x4000, $0x38;
	[tilespmem:$0x11200] =	vst v63  }
0x45: {  	s29 =	sadd.s32 $0x800, s10  }
0x46: {  	[hbm4b:s29+s3] =	stream.linear.scatter [tilespmem:s14], [sflag:$0x6], $0x4000, $0x38;
	[tilespmem:$0x11200] =	vst v63  }
0x47: {  	s29 =	simm.s32 $0x300  }
0x48: {  	[tilespmem:s18], [sflag:$0x3] =	stream.indirect.gather [hbm4b:s1+s12], $0x80, s29, s12, $0xb8;
	[tilespmem:$0x11200] =	vst v63  }
0x49: {  	s29 =	simm.s32 $0x380  }
0x4a: {  	[tilespmem:s20], [sflag:$0x4] =	stream.indirect.gather [hbm4b:s1+s12], $0x80, s29, s12, $0xb8;
	[tilespmem:$0x11200] =	vst v63  }
0x4b: {  	_ =	swait.ge [sflag:s21], $0x4000  }
0x4c: {  	[sflag:s21] =	ssyncset.done $0x0  }
0x4d: {  	[sflag:s21] =	ssyncadd.s32 $0xFFFFC000  }
0x4e: {  	_ =	swait.ge [sflag:s22], $0x4000  }
0x4f: {  	[sflag:s22] =	ssyncset.done $0x0  }
0x50: {  	s29 =	sadd.s32 $0x1000, s10;
	[sflag:s22] =	ssyncadd.s32 $0xFFFFC000  }
0x51: {  	[hbm4b:s29+s3] =	stream.linear.scatter [tilespmem:s18], [sflag:$0x7], $0x4000, $0x38;
	[tilespmem:$0x11200] =	vst v63  }
0x52: {  	s31 =	sadd.s32 $0x1800, s10;
	s30 =	sadd.s32 $0x2000, s10;
	s29 =	simm.s32 $0x800  }
.LBB2_2:
0x53: {  	[hbm4b:s31+s3] =	stream.linear.scatter [tilespmem:s20], [sflag:$0x8], $0x4000, $0x38;
	[tilespmem:$0x11200] =	vst v63  }
0x54: {  	s31 =	smov.u32 s29  }
0x55: {  	p0 =	sne.s32 s29, $0x3800;
	s29 =	sadd.s32 $0x800, s29;
	_ =	swait.ge [sflag:s23], $0x4000  }
0x56: {  	[sflag:s23] =	ssyncset.done $0x0  }
0x57: {  	[sflag:s23] =	ssyncadd.s32 $0xFFFFC000  }
0x58: {  	_ =	swait.ge [sflag:s24], $0x4000  }
0x59: {  	s31 =	sshra.s32 s31, $0x2;
	[sflag:s24] =	ssyncset.done $0x0  }
0x5a: {  	s0 =	sadd.s32 $0x200, s31;
	[sflag:s24] =	ssyncadd.s32 $0xFFFFC000  }
0x5b: {  	[tilespmem:s13], [sflag:$0x1] =	stream.indirect.gather [hbm4b:s1+s12], $0x80, s0, s12, $0xb8;
	[tilespmem:$0x11200] =	vst v63  }
0x5c: {  	s0 =	sadd.s32 $0x280, s31  }
0x5d: {  	[tilespmem:s14], [sflag:$0x2] =	stream.indirect.gather [hbm4b:s1+s12], $0x80, s0, s12, $0xb8;
	[tilespmem:$0x11200] =	vst v63  }
0x5e: {  	_ =	swait.ge [sflag:s25], $0x4000  }
0x5f: {  	[sflag:s25] =	ssyncset.done $0x0  }
0x60: {  	[sflag:s25] =	ssyncadd.s32 $0xFFFFC000  }
0x61: {  	_ =	swait.ge [sflag:s26], $0x4000  }
0x62: {  	[sflag:s26] =	ssyncset.done $0x0  }
0x63: {  	[sflag:s26] =	ssyncadd.s32 $0xFFFFC000  }
0x64: {  	_ =	swait.ge [sflag:s15], $0x4000  }
0x65: {  	[sflag:s15] =	ssyncset.done $0x0  }
0x66: {  	[sflag:s15] =	ssyncadd.s32 $0xFFFFC000  }
0x67: {  	_ =	swait.ge [sflag:s16], $0x4000  }
0x68: {  	[sflag:s16] =	ssyncset.done $0x0  }
0x69: {  	[sflag:s16] =	ssyncadd.s32 $0xFFFFC000  }
0x6a: {  	[hbm4b:s30+s3] =	stream.linear.scatter [tilespmem:s13], [sflag:$0x5], $0x4000, $0x38;
	[tilespmem:$0x11200] =	vst v63  }
0x6b: {  	s0 =	sadd.s32 $0x800, s30  }
0x6c: {  	[hbm4b:s0+s3] =	stream.linear.scatter [tilespmem:s14], [sflag:$0x6], $0x4000, $0x38;
	[tilespmem:$0x11200] =	vst v63  }
0x6d: {  	s0 =	sadd.s32 $0x300, s31  }
0x6e: {  	[tilespmem:s18], [sflag:$0x3] =	stream.indirect.gather [hbm4b:s1+s12], $0x80, s0, s12, $0xb8;
	[tilespmem:$0x11200] =	vst v63  }
0x6f: {  	s0 =	sadd.s32 $0x380, s31  }
0x70: {  	[tilespmem:s20], [sflag:$0x4] =	stream.indirect.gather [hbm4b:s1+s12], $0x80, s0, s12, $0xb8;
	[tilespmem:$0x11200] =	vst v63  }
0x71: {  	_ =	swait.ge [sflag:s21], $0x4000  }
0x72: {  	[sflag:s21] =	ssyncset.done $0x0  }
0x73: {  	[sflag:s21] =	ssyncadd.s32 $0xFFFFC000  }
.Ltmp0:
0x74: {  	_ =	swait.ge [sflag:s22], $0x4000;
	(pc) =	sbr.rel @p0 .LBB2_2-.Ltmp0, $4  }
0x75: {  	[sflag:s22] =	ssyncset.done $0x0  }
0x76: {  	s0 =	sadd.s32 $0x1000, s30;
	[sflag:s22] =	ssyncadd.s32 $0xFFFFC000  }
0x77: {  	[hbm4b:s0+s3] =	stream.linear.scatter [tilespmem:s18], [sflag:$0x7], $0x4000, $0x38;
	[tilespmem:$0x11200] =	vst v63  }
0x78: {  	s31 =	sadd.s32 $0x1800, s30;
	s30 =	sadd.s32 $0x2000, s30  }
0x79: {  	[hbm4b:s31+s3] =	stream.linear.scatter [tilespmem:s20], [sflag:$0x8], $0x4000, $0x38;
	[tilespmem:$0x11200] =	vst v63  }
0x7a: {  	_ =	swait.ge [sflag:s23], $0x4000  }
0x7b: {  	[sflag:s23] =	ssyncset.done $0x0  }
0x7c: {  	[sflag:s23] =	ssyncadd.s32 $0xFFFFC000  }
0x7d: {  	_ =	swait.ge [sflag:s24], $0x4000  }
0x7e: {  	[sflag:s24] =	ssyncset.done $0x0  }
0x7f: {  	s28 =	sadd.s32 $0x1, s28;
	[sflag:s24] =	ssyncadd.s32 $0xFFFFC000  }
0x80: {  	p0 =	sne.s32 s28, s6;
	_ =	swait.ge [sflag:s25], $0x4000  }
.Ltmp1:
0x81: {  	[sflag:s25] =	ssyncset.done $0x0;
	(pc) =	sbr.rel @p0 .LBB2_1-.Ltmp1, $4  }
0x82: {  	[sflag:s25] =	ssyncadd.s32 $0xFFFFC000  }
0x83: {  	_ =	swait.ge [sflag:s26], $0x4000  }
0x84: {  	[sflag:s26] =	ssyncset.done $0x0  }
0x85: {  	[sflag:s26] =	ssyncadd.s32 $0xFFFFC000  }
0x86: {  	_ =	sfence.sel $0x180000  }
0x87: {  	[bflag:$0x0] =	sbarrier.arrive $0xFFFF  }
0x88: {  	_ =	strace $0x90000047  }
0x89: {  	[bflag:$0x2] =	sbarrier.arrive $0xFFFF  }
0x8a: {  	p0 =	sne.s32 s2, $0x0;
	s0 =	rddreg [dreg:$0x3]  }
0x8b: {  	s0 =	sadd.s32 @!p0 $0x100000, s0  }
0x8c: {  	[sflag:s0] =	ssyncadd.tile.s32 @!p0 $0x1;
	_ =	shalt  }
.Lfunc_end2:
_tile_overlayer_lowered:
.L_overlay_start_2:
0x8d: {  	(tag) =	ssettag $0x2  }
0x8e: {  	s0 =	rddreg [dreg:$0x0];
	s2 =	stileid.u32  }
0x8f: {  	s1 =	rddreg [dreg:$0x1];
	p0 =	sne.s32 s2, $0x0  }
0x90: {  	s3 =	rddreg [dreg:$0x2];
	[bflag:$0x3] =	sbarrier.arrive $0xFFFF;
	s2 =	simm.s32 @!p0 $0x1C09  }
0x91: {  	[timem:s3], [sflag:s2] =	dma.local @!p0 [hbm:s0], s1  }
0x92: {  	s0 =	simm.s32 @!p0 $0x9  }
0x93: {  	_ =	swait.ge @!p0 [sflag:s0], s1  }
0x94: {  	s1 =	ssub.s32 @!p0 $0x0, s1;
	[sflag:s0] =	ssyncset.done @!p0 $0x0  }
0x95: {  	[sflag:s0] =	ssyncadd.s32 @!p0 s1  }
0x96: {  	[bflag:$0x3] =	sbarrier.arrive $0xFFFF  }
0x97: {  	_ =	shalt  }

</sc_bundles>
